<compile_context>
chip_gen: v7x
topology: tpu7x:2x2x1
jax: 0.10.2.dev20260603
libtpu: 0.0.44.dev20260713+nightly
codegen_flags: <defaults>
</compile_context>

<pallas_src>
import jax
import jax.numpy as jnp
from jax import lax
from jax.experimental import pallas as pl
from jax.experimental.pallas import tpu as pltpu
from jax.experimental.pallas import tpu_sc as plsc

B, S = 16384, 200
V, D = 50, 16
N = B * S
NW = 32
L = 16
NTILES = S * (D // 8) * (B // 128)
PER_W = NTILES // NW
TPC = 32
NCHUNKS = PER_W // TPC
CIDX = (TPC // 2) * 128
GROUPS = CIDX // L
HOUT = (TPC // 2) * 1024
COUT = TPC * 1024


def _lookup_body(xt_hbm, emb_hbm, out_hbm, emb_v, idx_v, rows_v, sem_idx, sem_st):
    cid = lax.axis_index("c")
    sid = lax.axis_index("s")
    wid = sid * 2 + cid
    u_base = wid * NCHUNKS

    pltpu.sync_copy(emb_hbm, emb_v)

    def start_idx(c, b):
        u = u_base + c
        s = u >> 3
        nt0 = (u & 7) << 4
        pltpu.async_copy(
            xt_hbm.at[pl.ds(s * B + nt0 * 128, CIDX)], idx_v.at[b], sem_idx.at[b]
        )

    start_idx(0, 0)
    start_idx(1, 1)

    lane = lax.iota(jnp.int32, L)

    @pl.loop(0, NCHUNKS, step=2)
    def _super(g0):
        for b in range(2):
            c = g0 + b
            u = u_base + c
            s = u >> 3
            nt0 = (u & 7) << 4

            @pl.when(c >= 2)
            def _():
                for dt in range(2):
                    pltpu.make_async_copy(
                        rows_v.at[b].at[pl.ds(dt * HOUT, HOUT)],
                        out_hbm.at[pl.ds(0, HOUT)],
                        sem_st.at[b],
                    ).wait()

            pltpu.make_async_copy(
                xt_hbm.at[pl.ds(0, CIDX)], idx_v.at[b], sem_idx.at[b]
            ).wait()

            idx_ref = idx_v.at[b]
            rows_ref = rows_v.at[b]

            @plsc.parallel_loop(0, GROUPS, unroll=4)
            def _grp(g):
                idxv = idx_ref[pl.ds(g * L, L)]
                gbase = (idxv << 8) + lane
                sbase = ((g >> 3) << 10) + ((g & 7) << 4)
                for d in range(D):
                    vals = plsc.load_gather(emb_v, [gbase + (d << 4)])
                    half = (d >> 3) * HOUT
                    rows_ref[pl.ds(half + sbase + ((d & 7) << 7), L)] = vals

            @pl.when(c + 2 < NCHUNKS)
            def _():
                start_idx(c + 2, b)

            for dt in range(2):
                pltpu.async_copy(
                    rows_v.at[b].at[pl.ds(dt * HOUT, HOUT)],
                    out_hbm.at[pl.ds(((s * 2 + dt) * 128 + nt0) * 1024, HOUT)],
                    sem_st.at[b],
                )

    for b in range(2):
        for dt in range(2):
            pltpu.make_async_copy(
                rows_v.at[b].at[pl.ds(dt * HOUT, HOUT)],
                out_hbm.at[pl.ds(0, HOUT)],
                sem_st.at[b],
            ).wait()


@jax.jit
def _lookup(xt_flat, emb_flat):
    mesh = plsc.VectorSubcoreMesh(core_axis_name="c", subcore_axis_name="s")
    return pl.kernel(
        _lookup_body,
        out_type=jax.ShapeDtypeStruct((N * D,), jnp.float32),
        mesh=mesh,
        scratch_types=[
            pltpu.VMEM((V * D * L,), jnp.float32),
            pltpu.VMEM((2, CIDX), jnp.int32),
            pltpu.VMEM((2, COUT), jnp.float32),
            pltpu.SemaphoreType.DMA((2,)),
            pltpu.SemaphoreType.DMA((2,)),
        ],
        compiler_params=pltpu.CompilerParams(
            use_tc_tiling_on_sc=False, needs_layout_passes=False
        ),
    )(xt_flat, emb_flat)


def kernel(x, embedding):
    xt_flat = jnp.transpose(x).reshape(N).astype(jnp.int32)
    emb_skew = jnp.repeat(embedding.reshape(V * D), L)
    out = _lookup(xt_flat, emb_skew)
    out5 = out.reshape(S, D // 8, B // 128, 8, 128)
    return jnp.transpose(out5, (2, 4, 0, 1, 3)).reshape(B, S, D)

# --- scband reference (transcript-rebuilt; emitter-appended) ---
"""Pipeline reference for scband-my-layer-11879879543091 (READ-ONLY COPY).

The authoritative reference and input builder live on the scoring server;
editing this copy changes nothing except your own understanding.
"""

import jax, jax.numpy as jnp
import numpy as np

def setup_inputs(seed: int = 0) -> dict:
    key = jax.random.key(seed)
    k1, k2 = jax.random.split(key)
    x = jax.random.randint(k1, (16384, 200), 0, 50, dtype=jnp.int64) if jax.config.jax_enable_x64 else jax.random.randint(k1, (16384, 200), 0, 50, dtype=jnp.int32)
    embedding = jax.random.uniform(k2, (50, 16), dtype=jnp.float32)
    return {"x": x, "embedding": embedding}

def reference(x, embedding):
    # tf.nn.embedding_lookup(embedding, x) -> gather along axis 0
    return jnp.take(embedding, x, axis=0)

if __name__ == "__main__":
    import jax
    _d = setup_inputs()
    print(jax.jit(kernel)(*tuple(_d.values())))

</pallas_src>

<mosaic_0001>
#map = affine_map<(d0, d1) -> (0)>
module attributes {stable_mosaic.version = 14 : i64} {
  func.func @_lookup_body(%arg0: i32, %arg1: i32, %arg2: memref<3276800xi32, #tpu.memory_space<hbm>>, %arg3: memref<12800xf32, #tpu.memory_space<hbm>>, %arg4: memref<52428800xf32, #tpu.memory_space<hbm>>, %arg5: memref<12800xf32, #tpu.memory_space<vmem>>, %arg6: memref<2x2048xi32, #tpu.memory_space<vmem>>, %arg7: memref<2x32768xf32, #tpu.memory_space<vmem>>, %arg8: memref<2x!tpu.dma_semaphore, #tpu.memory_space<semaphore_mem>>, %arg9: memref<2x!tpu.dma_semaphore, #tpu.memory_space<semaphore_mem>>) attributes {dimension_semantics = [#tpu.dimension_semantics<core_parallel>, #tpu.dimension_semantics<subcore_parallel>], iteration_bounds = array<i64: 2, 16>, scalar_prefetch = 0 : i64, scratch_operands = 5 : i64, tpu.core_type = #tpu.core_type<sc_vector_subcore>, window_params = [{transform_indices = #map}, {transform_indices = #map}, {transform_indices = #map}]} {
    %mul3A = arith.constant 2 : i32
    %mul3A_0 = arith.muli %arg1, %mul3A : i32
    %add3A = arith.addi %mul3A_0, %arg0 : i32
    %mul3A_1 = arith.constant 50 : i32
    %mul3A_2 = arith.muli %add3A, %mul3A_1 : i32
    "tpu.region"() ({
      %run_scoped3A = tpu.sem_alloc : memref<!tpu.dma_semaphore, #tpu.memory_space<semaphore_mem>>
      tpu.enqueue_dma source(%arg3 : memref<12800xf32, #tpu.memory_space<hbm>>) target(%arg5 : memref<12800xf32, #tpu.memory_space<vmem>>) target_semaphore(%run_scoped3A : memref<!tpu.dma_semaphore, #tpu.memory_space<semaphore_mem>>)
      tpu.wait_dma2 semaphore(%run_scoped3A : memref<!tpu.dma_semaphore, #tpu.memory_space<semaphore_mem>>) src(%arg3 : memref<12800xf32, #tpu.memory_space<hbm>>) dst(%arg5 : memref<12800xf32, #tpu.memory_space<vmem>>)
      tpu.yield
    }) : () -> ()
    %add3A_3 = arith.constant 0 : i32
    %add3A_4 = arith.addi %mul3A_2, %add3A_3 : i32
    %shift_right_arithmetic3A = arith.constant 3 : i32
    %shift_right_arithmetic3A_5 = arith.shrsi %add3A_4, %shift_right_arithmetic3A : i32
    %and3A = arith.constant 7 : i32
    %and3A_6 = arith.andi %add3A_4, %and3A : i32
    %shift_left3A = arith.constant 4 : i32
    %shift_left3A_7 = arith.shli %and3A_6, %shift_left3A : i32
    %mul3A_8 = arith.constant 16384 : i32
    %mul3A_9 = arith.muli %shift_right_arithmetic3A_5, %mul3A_8 : i32
    %mul3A_10 = arith.constant 128 : i32
    %mul3A_11 = arith.muli %shift_left3A_7, %mul3A_10 : i32
    %add3A_12 = arith.addi %mul3A_9, %mul3A_11 : i32
    %dma_start3A = arith.constant 0 : i32
    %dma_start3A_13 = arith.constant 0 : i32
    %dma_start3A_14 = arith.constant 0 : i32
    %dma_start3A_15 = tpu.memref_slice %arg6[%dma_start3A, %dma_start3A_14] : memref<2x2048xi32, #tpu.memory_space<vmem>> -> memref<1x2048xi32, #tpu.memory_space<vmem>>
    %dma_start3A_16 = tpu.memref_squeeze %dma_start3A_15 : memref<1x2048xi32, #tpu.memory_space<vmem>> -> memref<2048xi32, #tpu.memory_space<vmem>>
    %dma_start3A_17 = tpu.memref_slice %arg2[%add3A_12] : memref<3276800xi32, #tpu.memory_space<hbm>> -> memref<2048xi32, #tpu.memory_space<hbm>>
    %dma_start3A_18 = tpu.memref_slice %arg8[%dma_start3A_13] : memref<2x!tpu.dma_semaphore, #tpu.memory_space<semaphore_mem>> -> memref<1x!tpu.dma_semaphore, #tpu.memory_space<semaphore_mem>>
    %dma_start3A_19 = tpu.memref_squeeze %dma_start3A_18 : memref<1x!tpu.dma_semaphore, #tpu.memory_space<semaphore_mem>> -> memref<!tpu.dma_semaphore, #tpu.memory_space<semaphore_mem>>
    %dma_start3A_20 = arith.constant 0 : i32
    %dma_start3A_21 = tpu.memref_slice %arg6[%dma_start3A, %dma_start3A_20] : memref<2x2048xi32, #tpu.memory_space<vmem>> -> memref<1x2048xi32, #tpu.memory_space<vmem>>
    %dma_start3A_22 = tpu.memref_squeeze %dma_start3A_21 : memref<1x2048xi32, #tpu.memory_space<vmem>> -> memref<2048xi32, #tpu.memory_space<vmem>>
    %dma_start3A_23 = tpu.memref_slice %arg2[%add3A_12] : memref<3276800xi32, #tpu.memory_space<hbm>> -> memref<2048xi32, #tpu.memory_space<hbm>>
    tpu.enqueue_dma source(%dma_start3A_23 : memref<2048xi32, #tpu.memory_space<hbm>>) target(%dma_start3A_22 : memref<2048xi32, #tpu.memory_space<vmem>>) target_semaphore(%dma_start3A_19 : memref<!tpu.dma_semaphore, #tpu.memory_space<semaphore_mem>>)
    %add3A_24 = arith.constant 1 : i32
    %add3A_25 = arith.addi %mul3A_2, %add3A_24 : i32
    %shift_right_arithmetic3A_26 = arith.constant 3 : i32
    %shift_right_arithmetic3A_27 = arith.shrsi %add3A_25, %shift_right_arithmetic3A_26 : i32
    %and3A_28 = arith.constant 7 : i32
    %and3A_29 = arith.andi %add3A_25, %and3A_28 : i32
    %shift_left3A_30 = arith.constant 4 : i32
    %shift_left3A_31 = arith.shli %and3A_29, %shift_left3A_30 : i32
    %mul3A_32 = arith.constant 16384 : i32
    %mul3A_33 = arith.muli %shift_right_arithmetic3A_27, %mul3A_32 : i32
    %mul3A_34 = arith.constant 128 : i32
    %mul3A_35 = arith.muli %shift_left3A_31, %mul3A_34 : i32
    %add3A_36 = arith.addi %mul3A_33, %mul3A_35 : i32
    %dma_start3A_37 = arith.constant 1 : i32
    %dma_start3A_38 = arith.constant 1 : i32
    %dma_start3A_39 = arith.constant 0 : i32
    %dma_start3A_40 = tpu.memref_slice %arg6[%dma_start3A_37, %dma_start3A_39] : memref<2x2048xi32, #tpu.memory_space<vmem>> -> memref<1x2048xi32, #tpu.memory_space<vmem>>
    %dma_start3A_41 = tpu.memref_squeeze %dma_start3A_40 : memref<1x2048xi32, #tpu.memory_space<vmem>> -> memref<2048xi32, #tpu.memory_space<vmem>>
    %dma_start3A_42 = tpu.memref_slice %arg2[%add3A_36] : memref<3276800xi32, #tpu.memory_space<hbm>> -> memref<2048xi32, #tpu.memory_space<hbm>>
    %dma_start3A_43 = tpu.memref_slice %arg8[%dma_start3A_38] : memref<2x!tpu.dma_semaphore, #tpu.memory_space<semaphore_mem>> -> memref<1x!tpu.dma_semaphore, #tpu.memory_space<semaphore_mem>>
    %dma_start3A_44 = tpu.memref_squeeze %dma_start3A_43 : memref<1x!tpu.dma_semaphore, #tpu.memory_space<semaphore_mem>> -> memref<!tpu.dma_semaphore, #tpu.memory_space<semaphore_mem>>
    %dma_start3A_45 = arith.constant 0 : i32
    %dma_start3A_46 = tpu.memref_slice %arg6[%dma_start3A_37, %dma_start3A_45] : memref<2x2048xi32, #tpu.memory_space<vmem>> -> memref<1x2048xi32, #tpu.memory_space<vmem>>
    %dma_start3A_47 = tpu.memref_squeeze %dma_start3A_46 : memref<1x2048xi32, #tpu.memory_space<vmem>> -> memref<2048xi32, #tpu.memory_space<vmem>>
    %dma_start3A_48 = tpu.memref_slice %arg2[%add3A_36] : memref<3276800xi32, #tpu.memory_space<hbm>> -> memref<2048xi32, #tpu.memory_space<hbm>>
    tpu.enqueue_dma source(%dma_start3A_48 : memref<2048xi32, #tpu.memory_space<hbm>>) target(%dma_start3A_47 : memref<2048xi32, #tpu.memory_space<vmem>>) target_semaphore(%dma_start3A_44 : memref<!tpu.dma_semaphore, #tpu.memory_space<semaphore_mem>>)
    %iota3A = tpu.iota {dimensions = array<i32: 0>} : vector<16xi32>
    %scan3A = arith.constant 0 : i32
    %scan3A_49 = arith.constant 25 : i32
    %scan3A_50 = arith.addi %scan3A, %scan3A_49 : i32
    %scan3A_51 = arith.constant 1 : i32
    scf.for %scan3A_124 = %scan3A to %scan3A_50 step %scan3A_51  : i32 {
      %mul3A_125 = arith.constant 2 : i32
      %mul3A_126 = arith.muli %scan3A_124, %mul3A_125 : i32
      %add3A_127 = arith.constant 0 : i32
      %add3A_128 = arith.addi %add3A_127, %mul3A_126 : i32
      %add3A_129 = arith.constant 0 : i32
      %add3A_130 = arith.addi %add3A_128, %add3A_129 : i32
      %add3A_131 = arith.addi %mul3A_2, %add3A_130 : i32
      %shift_right_arithmetic3A_132 = arith.constant 3 : i32
      %shift_right_arithmetic3A_133 = arith.shrsi %add3A_131, %shift_right_arithmetic3A_132 : i32
      %and3A_134 = arith.constant 7 : i32
      %and3A_135 = arith.andi %add3A_131, %and3A_134 : i32
      %shift_left3A_136 = arith.constant 4 : i32
      %shift_left3A_137 = arith.shli %and3A_135, %shift_left3A_136 : i32
      %ge3A = arith.constant 2 : i32
      %ge3A_138 = arith.cmpi sge, %add3A_130, %ge3A : i32
      %convert_element_type3A = arith.extui %ge3A_138 : i1 to i32
      %cond3A = arith.constant 0 : i32
      %cond3A_139 = arith.cmpi ne, %convert_element_type3A, %cond3A : i32
      scf.if %cond3A_139 {
        %dma_wait3A_304 = arith.constant 0 : i32
        %dma_wait3A_305 = arith.constant 0 : i32
        %dma_wait3A_306 = arith.constant 0 : i32
        %dma_wait3A_307 = tpu.memref_slice %arg7[%dma_wait3A_304, %dma_wait3A_306] : memref<2x32768xf32, #tpu.memory_space<vmem>> -> memref<1x32768xf32, #tpu.memory_space<vmem>>
        %dma_wait3A_308 = tpu.memref_squeeze %dma_wait3A_307 : memref<1x32768xf32, #tpu.memory_space<vmem>> -> memref<32768xf32, #tpu.memory_space<vmem>>
        %dma_wait3A_309 = arith.constant 0 : i32
        %dma_wait3A_310 = tpu.memref_slice %dma_wait3A_308[%dma_wait3A_309] : memref<32768xf32, #tpu.memory_space<vmem>> -> memref<16384xf32, #tpu.memory_space<vmem>>
        %dma_wait3A_311 = arith.constant 0 : i32
        %dma_wait3A_312 = tpu.memref_slice %arg4[%dma_wait3A_311] : memref<52428800xf32, #tpu.memory_space<hbm>> -> memref<16384xf32, #tpu.memory_space<hbm>>
        %dma_wait3A_313 = tpu.memref_slice %arg9[%dma_wait3A_305] : memref<2x!tpu.dma_semaphore, #tpu.memory_space<semaphore_mem>> -> memref<1x!tpu.dma_semaphore, #tpu.memory_space<semaphore_mem>>
        %dma_wait3A_314 = tpu.memref_squeeze %dma_wait3A_313 : memref<1x!tpu.dma_semaphore, #tpu.memory_space<semaphore_mem>> -> memref<!tpu.dma_semaphore, #tpu.memory_space<semaphore_mem>>
        %dma_wait3A_315 = arith.constant 0 : i32
        %dma_wait3A_316 = tpu.memref_slice %arg4[%dma_wait3A_315] : memref<52428800xf32, #tpu.memory_space<hbm>> -> memref<16384xf32, #tpu.memory_space<hbm>>
        %dma_wait3A_317 = arith.constant 0 : i32
        %dma_wait3A_318 = tpu.memref_slice %arg7[%dma_wait3A_304, %dma_wait3A_317] : memref<2x32768xf32, #tpu.memory_space<vmem>> -> memref<1x32768xf32, #tpu.memory_space<vmem>>
        %dma_wait3A_319 = tpu.memref_squeeze %dma_wait3A_318 : memref<1x32768xf32, #tpu.memory_space<vmem>> -> memref<32768xf32, #tpu.memory_space<vmem>>
        %dma_wait3A_320 = arith.constant 0 : i32
        %dma_wait3A_321 = tpu.memref_slice %dma_wait3A_319[%dma_wait3A_320] : memref<32768xf32, #tpu.memory_space<vmem>> -> memref<16384xf32, #tpu.memory_space<vmem>>
        tpu.wait_dma2 semaphore(%dma_wait3A_314 : memref<!tpu.dma_semaphore, #tpu.memory_space<semaphore_mem>>) src(%dma_wait3A_321 : memref<16384xf32, #tpu.memory_space<vmem>>) dst(%dma_wait3A_316 : memref<16384xf32, #tpu.memory_space<hbm>>)
        %dma_wait3A_322 = arith.constant 0 : i32
        %dma_wait3A_323 = arith.constant 0 : i32
        %dma_wait3A_324 = arith.constant 0 : i32
        %dma_wait3A_325 = tpu.memref_slice %arg7[%dma_wait3A_322, %dma_wait3A_324] : memref<2x32768xf32, #tpu.memory_space<vmem>> -> memref<1x32768xf32, #tpu.memory_space<vmem>>
        %dma_wait3A_326 = tpu.memref_squeeze %dma_wait3A_325 : memref<1x32768xf32, #tpu.memory_space<vmem>> -> memref<32768xf32, #tpu.memory_space<vmem>>
        %dma_wait3A_327 = arith.constant 16384 : i32
        %dma_wait3A_328 = tpu.memref_slice %dma_wait3A_326[%dma_wait3A_327] : memref<32768xf32, #tpu.memory_space<vmem>> -> memref<16384xf32, #tpu.memory_space<vmem>>
        %dma_wait3A_329 = arith.constant 0 : i32
        %dma_wait3A_330 = tpu.memref_slice %arg4[%dma_wait3A_329] : memref<52428800xf32, #tpu.memory_space<hbm>> -> memref<16384xf32, #tpu.memory_space<hbm>>
        %dma_wait3A_331 = tpu.memref_slice %arg9[%dma_wait3A_323] : memref<2x!tpu.dma_semaphore, #tpu.memory_space<semaphore_mem>> -> memref<1x!tpu.dma_semaphore, #tpu.memory_space<semaphore_mem>>
        %dma_wait3A_332 = tpu.memref_squeeze %dma_wait3A_331 : memref<1x!tpu.dma_semaphore, #tpu.memory_space<semaphore_mem>> -> memref<!tpu.dma_semaphore, #tpu.memory_space<semaphore_mem>>
        %dma_wait3A_333 = arith.constant 0 : i32
        %dma_wait3A_334 = tpu.memref_slice %arg4[%dma_wait3A_333] : memref<52428800xf32, #tpu.memory_space<hbm>> -> memref<16384xf32, #tpu.memory_space<hbm>>
        %dma_wait3A_335 = arith.constant 0 : i32
        %dma_wait3A_336 = tpu.memref_slice %arg7[%dma_wait3A_322, %dma_wait3A_335] : memref<2x32768xf32, #tpu.memory_space<vmem>> -> memref<1x32768xf32, #tpu.memory_space<vmem>>
        %dma_wait3A_337 = tpu.memref_squeeze %dma_wait3A_336 : memref<1x32768xf32, #tpu.memory_space<vmem>> -> memref<32768xf32, #tpu.memory_space<vmem>>
        %dma_wait3A_338 = arith.constant 16384 : i32
        %dma_wait3A_339 = tpu.memref_slice %dma_wait3A_337[%dma_wait3A_338] : memref<32768xf32, #tpu.memory_space<vmem>> -> memref<16384xf32, #tpu.memory_space<vmem>>
        tpu.wait_dma2 semaphore(%dma_wait3A_332 : memref<!tpu.dma_semaphore, #tpu.memory_space<semaphore_mem>>) src(%dma_wait3A_339 : memref<16384xf32, #tpu.memory_space<vmem>>) dst(%dma_wait3A_334 : memref<16384xf32, #tpu.memory_space<hbm>>)
      } else {
      }
      %dma_wait3A_140 = arith.constant 0 : i32
      %dma_wait3A_141 = arith.constant 0 : i32
      %dma_wait3A_142 = arith.constant 0 : i32
      %dma_wait3A_143 = tpu.memref_slice %arg6[%dma_wait3A_140, %dma_wait3A_142] : memref<2x2048xi32, #tpu.memory_space<vmem>> -> memref<1x2048xi32, #tpu.memory_space<vmem>>
      %dma_wait3A_144 = tpu.memref_squeeze %dma_wait3A_143 : memref<1x2048xi32, #tpu.memory_space<vmem>> -> memref<2048xi32, #tpu.memory_space<vmem>>
      %dma_wait3A_145 = arith.constant 0 : i32
      %dma_wait3A_146 = tpu.memref_slice %arg2[%dma_wait3A_145] : memref<3276800xi32, #tpu.memory_space<hbm>> -> memref<2048xi32, #tpu.memory_space<hbm>>
      %dma_wait3A_147 = tpu.memref_slice %arg8[%dma_wait3A_141] : memref<2x!tpu.dma_semaphore, #tpu.memory_space<semaphore_mem>> -> memref<1x!tpu.dma_semaphore, #tpu.memory_space<semaphore_mem>>
      %dma_wait3A_148 = tpu.memref_squeeze %dma_wait3A_147 : memref<1x!tpu.dma_semaphore, #tpu.memory_space<semaphore_mem>> -> memref<!tpu.dma_semaphore, #tpu.memory_space<semaphore_mem>>
      %dma_wait3A_149 = arith.constant 0 : i32
      %dma_wait3A_150 = tpu.memref_slice %arg6[%dma_wait3A_140, %dma_wait3A_149] : memref<2x2048xi32, #tpu.memory_space<vmem>> -> memref<1x2048xi32, #tpu.memory_space<vmem>>
      %dma_wait3A_151 = tpu.memref_squeeze %dma_wait3A_150 : memref<1x2048xi32, #tpu.memory_space<vmem>> -> memref<2048xi32, #tpu.memory_space<vmem>>
      %dma_wait3A_152 = arith.constant 0 : i32
      %dma_wait3A_153 = tpu.memref_slice %arg2[%dma_wait3A_152] : memref<3276800xi32, #tpu.memory_space<hbm>> -> memref<2048xi32, #tpu.memory_space<hbm>>
      tpu.wait_dma2 semaphore(%dma_wait3A_148 : memref<!tpu.dma_semaphore, #tpu.memory_space<semaphore_mem>>) src(%dma_wait3A_153 : memref<2048xi32, #tpu.memory_space<hbm>>) dst(%dma_wait3A_151 : memref<2048xi32, #tpu.memory_space<vmem>>)
      %parallel_loop3A = arith.constant 0 : i32
      %parallel_loop3A_154 = arith.constant 128 : i32
      %parallel_loop3A_155 = arith.constant 1 : i32
      %parallel_loop3A_156 = arith.constant 0 : i32
      %parallel_loop3A_157 = arith.constant 0 : i32
      scf.for %parallel_loop3A_304 = %parallel_loop3A to %parallel_loop3A_154 step %parallel_loop3A_155  : i32 {
        %parallel_loop3A_305 = arith.constant 16 : i32
        %parallel_loop3A_306 = arith.muli %parallel_loop3A_304, %parallel_loop3A_305 : i32
        %parallel_loop3A_307 = arith.constant 0 : i32
        %parallel_loop3A_308 = tpu.memref_slice %arg6[%parallel_loop3A_156, %parallel_loop3A_307] : memref<2x2048xi32, #tpu.memory_space<vmem>> -> memref<1x2048xi32, #tpu.memory_space<vmem>>
        %parallel_loop3A_309 = tpu.memref_squeeze %parallel_loop3A_308 : memref<1x2048xi32, #tpu.memory_space<vmem>> -> memref<2048xi32, #tpu.memory_space<vmem>>
        %parallel_loop3A_310 = arith.index_cast %parallel_loop3A_306 : i32 to index
        %parallel_loop3A_311 = tpu.vector_load %parallel_loop3A_309[%parallel_loop3A_310] {strides = array<i32>} : memref<2048xi32, #tpu.memory_space<vmem>>, vector<16xi32>,
        %parallel_loop3A_312 = arith.constant 8 : i32
        %parallel_loop3A_313 = vector.broadcast %parallel_loop3A_312 : i32 to vector<16xi32>
        %parallel_loop3A_314 = arith.shli %parallel_loop3A_311, %parallel_loop3A_313 : vector<16xi32>
        %parallel_loop3A_315 = arith.addi %parallel_loop3A_314, %iota3A : vector<16xi32>
        %parallel_loop3A_316 = arith.constant 3 : i32
        %parallel_loop3A_317 = arith.shrsi %parallel_loop3A_304, %parallel_loop3A_316 : i32
        %parallel_loop3A_318 = arith.constant 10 : i32
        %parallel_loop3A_319 = arith.shli %parallel_loop3A_317, %parallel_loop3A_318 : i32
        %parallel_loop3A_320 = arith.constant 7 : i32
        %parallel_loop3A_321 = arith.andi %parallel_loop3A_304, %parallel_loop3A_320 : i32
        %parallel_loop3A_322 = arith.constant 4 : i32
        %parallel_loop3A_323 = arith.shli %parallel_loop3A_321, %parallel_loop3A_322 : i32
        %parallel_loop3A_324 = arith.addi %parallel_loop3A_319, %parallel_loop3A_323 : i32
        %parallel_loop3A_325 = arith.constant 0 : i32
        %parallel_loop3A_326 = vector.broadcast %parallel_loop3A_325 : i32 to vector<16xi32>
        %parallel_loop3A_327 = arith.addi %parallel_loop3A_315, %parallel_loop3A_326 : vector<16xi32>
        %parallel_loop3A_328 = tpu.vector_load_idx %arg5[%parallel_loop3A_327] : memref<12800xf32, #tpu.memory_space<vmem>>[vector<16xi32>], vector<16xf32>,
        %parallel_loop3A_329 = arith.constant 0 : i32
        %parallel_loop3A_330 = arith.addi %parallel_loop3A_329, %parallel_loop3A_324 : i32
        %parallel_loop3A_331 = arith.constant 0 : i32
        %parallel_loop3A_332 = arith.addi %parallel_loop3A_330, %parallel_loop3A_331 : i32
        %parallel_loop3A_333 = arith.constant 0 : i32
        %parallel_loop3A_334 = tpu.memref_slice %arg7[%parallel_loop3A_157, %parallel_loop3A_333] : memref<2x32768xf32, #tpu.memory_space<vmem>> -> memref<1x32768xf32, #tpu.memory_space<vmem>>
        %parallel_loop3A_335 = tpu.memref_squeeze %parallel_loop3A_334 : memref<1x32768xf32, #tpu.memory_space<vmem>> -> memref<32768xf32, #tpu.memory_space<vmem>>
        %parallel_loop3A_336 = arith.index_cast %parallel_loop3A_332 : i32 to index
        %parallel_loop3A_337 = tpu.vector_load %parallel_loop3A_335[%parallel_loop3A_336] {strides = array<i32>} : memref<32768xf32, #tpu.memory_space<vmem>>, vector<16xf32>,
        tpu.vector_store %parallel_loop3A_335[%parallel_loop3A_336], %parallel_loop3A_328 {strides = array<i32>} : memref<32768xf32, #tpu.memory_space<vmem>>, vector<16xf32>,
        %parallel_loop3A_338 = arith.constant 16 : i32
        %parallel_loop3A_339 = vector.broadcast %parallel_loop3A_338 : i32 to vector<16xi32>
        %parallel_loop3A_340 = arith.addi %parallel_loop3A_315, %parallel_loop3A_339 : vector<16xi32>
        %parallel_loop3A_341 = tpu.vector_load_idx %arg5[%parallel_loop3A_340] : memref<12800xf32, #tpu.memory_space<vmem>>[vector<16xi32>], vector<16xf32>,
        %parallel_loop3A_342 = arith.constant 0 : i32
        %parallel_loop3A_343 = arith.addi %parallel_loop3A_342, %parallel_loop3A_324 : i32
        %parallel_loop3A_344 = arith.constant 128 : i32
        %parallel_loop3A_345 = arith.addi %parallel_loop3A_343, %parallel_loop3A_344 : i32
        %parallel_loop3A_346 = arith.constant 0 : i32
        %parallel_loop3A_347 = tpu.memref_slice %arg7[%parallel_loop3A_157, %parallel_loop3A_346] : memref<2x32768xf32, #tpu.memory_space<vmem>> -> memref<1x32768xf32, #tpu.memory_space<vmem>>
        %parallel_loop3A_348 = tpu.memref_squeeze %parallel_loop3A_347 : memref<1x32768xf32, #tpu.memory_space<vmem>> -> memref<32768xf32, #tpu.memory_space<vmem>>
        %parallel_loop3A_349 = arith.index_cast %parallel_loop3A_345 : i32 to index
        %parallel_loop3A_350 = tpu.vector_load %parallel_loop3A_348[%parallel_loop3A_349] {strides = array<i32>} : memref<32768xf32, #tpu.memory_space<vmem>>, vector<16xf32>,
        tpu.vector_store %parallel_loop3A_348[%parallel_loop3A_349], %parallel_loop3A_341 {strides = array<i32>} : memref<32768xf32, #tpu.memory_space<vmem>>, vector<16xf32>,
        %parallel_loop3A_351 = arith.constant 32 : i32
        %parallel_loop3A_352 = vector.broadcast %parallel_loop3A_351 : i32 to vector<16xi32>
        %parallel_loop3A_353 = arith.addi %parallel_loop3A_315, %parallel_loop3A_352 : vector<16xi32>
        %parallel_loop3A_354 = tpu.vector_load_idx %arg5[%parallel_loop3A_353] : memref<12800xf32, #tpu.memory_space<vmem>>[vector<16xi32>], vector<16xf32>,
        %parallel_loop3A_355 = arith.constant 0 : i32
        %parallel_loop3A_356 = arith.addi %parallel_loop3A_355, %parallel_loop3A_324 : i32
        %parallel_loop3A_357 = arith.constant 256 : i32
        %parallel_loop3A_358 = arith.addi %parallel_loop3A_356, %parallel_loop3A_357 : i32
        %parallel_loop3A_359 = arith.constant 0 : i32
        %parallel_loop3A_360 = tpu.memref_slice %arg7[%parallel_loop3A_157, %parallel_loop3A_359] : memref<2x32768xf32, #tpu.memory_space<vmem>> -> memref<1x32768xf32, #tpu.memory_space<vmem>>
        %parallel_loop3A_361 = tpu.memref_squeeze %parallel_loop3A_360 : memref<1x32768xf32, #tpu.memory_space<vmem>> -> memref<32768xf32, #tpu.memory_space<vmem>>
        %parallel_loop3A_362 = arith.index_cast %parallel_loop3A_358 : i32 to index
        %parallel_loop3A_363 = tpu.vector_load %parallel_loop3A_361[%parallel_loop3A_362] {strides = array<i32>} : memref<32768xf32, #tpu.memory_space<vmem>>, vector<16xf32>,
        tpu.vector_store %parallel_loop3A_361[%parallel_loop3A_362], %parallel_loop3A_354 {strides = array<i32>} : memref<32768xf32, #tpu.memory_space<vmem>>, vector<16xf32>,
        %parallel_loop3A_364 = arith.constant 48 : i32
        %parallel_loop3A_365 = vector.broadcast %parallel_loop3A_364 : i32 to vector<16xi32>
        %parallel_loop3A_366 = arith.addi %parallel_loop3A_315, %parallel_loop3A_365 : vector<16xi32>
        %parallel_loop3A_367 = tpu.vector_load_idx %arg5[%parallel_loop3A_366] : memref<12800xf32, #tpu.memory_space<vmem>>[vector<16xi32>], vector<16xf32>,
        %parallel_loop3A_368 = arith.constant 0 : i32
        %parallel_loop3A_369 = arith.addi %parallel_loop3A_368, %parallel_loop3A_324 : i32
        %parallel_loop3A_370 = arith.constant 384 : i32
        %parallel_loop3A_371 = arith.addi %parallel_loop3A_369, %parallel_loop3A_370 : i32
        %parallel_loop3A_372 = arith.constant 0 : i32
        %parallel_loop3A_373 = tpu.memref_slice %arg7[%parallel_loop3A_157, %parallel_loop3A_372] : memref<2x32768xf32, #tpu.memory_space<vmem>> -> memref<1x32768xf32, #tpu.memory_space<vmem>>
        %parallel_loop3A_374 = tpu.memref_squeeze %parallel_loop3A_373 : memref<1x32768xf32, #tpu.memory_space<vmem>> -> memref<32768xf32, #tpu.memory_space<vmem>>
        %parallel_loop3A_375 = arith.index_cast %parallel_loop3A_371 : i32 to index
        %parallel_loop3A_376 = tpu.vector_load %parallel_loop3A_374[%parallel_loop3A_375] {strides = array<i32>} : memref<32768xf32, #tpu.memory_space<vmem>>, vector<16xf32>,
        tpu.vector_store %parallel_loop3A_374[%parallel_loop3A_375], %parallel_loop3A_367 {strides = array<i32>} : memref<32768xf32, #tpu.memory_space<vmem>>, vector<16xf32>,
        %parallel_loop3A_377 = arith.constant 64 : i32
        %parallel_loop3A_378 = vector.broadcast %parallel_loop3A_377 : i32 to vector<16xi32>
        %parallel_loop3A_379 = arith.addi %parallel_loop3A_315, %parallel_loop3A_378 : vector<16xi32>
        %parallel_loop3A_380 = tpu.vector_load_idx %arg5[%parallel_loop3A_379] : memref<12800xf32, #tpu.memory_space<vmem>>[vector<16xi32>], vector<16xf32>,
        %parallel_loop3A_381 = arith.constant 0 : i32
        %parallel_loop3A_382 = arith.addi %parallel_loop3A_381, %parallel_loop3A_324 : i32
        %parallel_loop3A_383 = arith.constant 512 : i32
        %parallel_loop3A_384 = arith.addi %parallel_loop3A_382, %parallel_loop3A_383 : i32
        %parallel_loop3A_385 = arith.constant 0 : i32
        %parallel_loop3A_386 = tpu.memref_slice %arg7[%parallel_loop3A_157, %parallel_loop3A_385] : memref<2x32768xf32, #tpu.memory_space<vmem>> -> memref<1x32768xf32, #tpu.memory_space<vmem>>
        %parallel_loop3A_387 = tpu.memref_squeeze %parallel_loop3A_386 : memref<1x32768xf32, #tpu.memory_space<vmem>> -> memref<32768xf32, #tpu.memory_space<vmem>>
        %parallel_loop3A_388 = arith.index_cast %parallel_loop3A_384 : i32 to index
        %parallel_loop3A_389 = tpu.vector_load %parallel_loop3A_387[%parallel_loop3A_388] {strides = array<i32>} : memref<32768xf32, #tpu.memory_space<vmem>>, vector<16xf32>,
        tpu.vector_store %parallel_loop3A_387[%parallel_loop3A_388], %parallel_loop3A_380 {strides = array<i32>} : memref<32768xf32, #tpu.memory_space<vmem>>, vector<16xf32>,
        %parallel_loop3A_390 = arith.constant 80 : i32
        %parallel_loop3A_391 = vector.broadcast %parallel_loop3A_390 : i32 to vector<16xi32>
        %parallel_loop3A_392 = arith.addi %parallel_loop3A_315, %parallel_loop3A_391 : vector<16xi32>
        %parallel_loop3A_393 = tpu.vector_load_idx %arg5[%parallel_loop3A_392] : memref<12800xf32, #tpu.memory_space<vmem>>[vector<16xi32>], vector<16xf32>,
        %parallel_loop3A_394 = arith.constant 0 : i32
        %parallel_loop3A_395 = arith.addi %parallel_loop3A_394, %parallel_loop3A_324 : i32
        %parallel_loop3A_396 = arith.constant 640 : i32
        %parallel_loop3A_397 = arith.addi %parallel_loop3A_395, %parallel_loop3A_396 : i32
        %parallel_loop3A_398 = arith.constant 0 : i32
        %parallel_loop3A_399 = tpu.memref_slice %arg7[%parallel_loop3A_157, %parallel_loop3A_398] : memref<2x32768xf32, #tpu.memory_space<vmem>> -> memref<1x32768xf32, #tpu.memory_space<vmem>>
        %parallel_loop3A_400 = tpu.memref_squeeze %parallel_loop3A_399 : memref<1x32768xf32, #tpu.memory_space<vmem>> -> memref<32768xf32, #tpu.memory_space<vmem>>
        %parallel_loop3A_401 = arith.index_cast %parallel_loop3A_397 : i32 to index
        %parallel_loop3A_402 = tpu.vector_load %parallel_loop3A_400[%parallel_loop3A_401] {strides = array<i32>} : memref<32768xf32, #tpu.memory_space<vmem>>, vector<16xf32>,
        tpu.vector_store %parallel_loop3A_400[%parallel_loop3A_401], %parallel_loop3A_393 {strides = array<i32>} : memref<32768xf32, #tpu.memory_space<vmem>>, vector<16xf32>,
        %parallel_loop3A_403 = arith.constant 96 : i32
        %parallel_loop3A_404 = vector.broadcast %parallel_loop3A_403 : i32 to vector<16xi32>
        %parallel_loop3A_405 = arith.addi %parallel_loop3A_315, %parallel_loop3A_404 : vector<16xi32>
        %parallel_loop3A_406 = tpu.vector_load_idx %arg5[%parallel_loop3A_405] : memref<12800xf32, #tpu.memory_space<vmem>>[vector<16xi32>], vector<16xf32>,
        %parallel_loop3A_407 = arith.constant 0 : i32
        %parallel_loop3A_408 = arith.addi %parallel_loop3A_407, %parallel_loop3A_324 : i32
        %parallel_loop3A_409 = arith.constant 768 : i32
        %parallel_loop3A_410 = arith.addi %parallel_loop3A_408, %parallel_loop3A_409 : i32
        %parallel_loop3A_411 = arith.constant 0 : i32
        %parallel_loop3A_412 = tpu.memref_slice %arg7[%parallel_loop3A_157, %parallel_loop3A_411] : memref<2x32768xf32, #tpu.memory_space<vmem>> -> memref<1x32768xf32, #tpu.memory_space<vmem>>
        %parallel_loop3A_413 = tpu.memref_squeeze %parallel_loop3A_412 : memref<1x32768xf32, #tpu.memory_space<vmem>> -> memref<32768xf32, #tpu.memory_space<vmem>>
        %parallel_loop3A_414 = arith.index_cast %parallel_loop3A_410 : i32 to index
        %parallel_loop3A_415 = tpu.vector_load %parallel_loop3A_413[%parallel_loop3A_414] {strides = array<i32>} : memref<32768xf32, #tpu.memory_space<vmem>>, vector<16xf32>,
        tpu.vector_store %parallel_loop3A_413[%parallel_loop3A_414], %parallel_loop3A_406 {strides = array<i32>} : memref<32768xf32, #tpu.memory_space<vmem>>, vector<16xf32>,
        %parallel_loop3A_416 = arith.constant 112 : i32
        %parallel_loop3A_417 = vector.broadcast %parallel_loop3A_416 : i32 to vector<16xi32>
        %parallel_loop3A_418 = arith.addi %parallel_loop3A_315, %parallel_loop3A_417 : vector<16xi32>
        %parallel_loop3A_419 = tpu.vector_load_idx %arg5[%parallel_loop3A_418] : memref<12800xf32, #tpu.memory_space<vmem>>[vector<16xi32>], vector<16xf32>,
        %parallel_loop3A_420 = arith.constant 0 : i32
        %parallel_loop3A_421 = arith.addi %parallel_loop3A_420, %parallel_loop3A_324 : i32
        %parallel_loop3A_422 = arith.constant 896 : i32
        %parallel_loop3A_423 = arith.addi %parallel_loop3A_421, %parallel_loop3A_422 : i32
        %parallel_loop3A_424 = arith.constant 0 : i32
        %parallel_loop3A_425 = tpu.memref_slice %arg7[%parallel_loop3A_157, %parallel_loop3A_424] : memref<2x32768xf32, #tpu.memory_space<vmem>> -> memref<1x32768xf32, #tpu.memory_space<vmem>>
        %parallel_loop3A_426 = tpu.memref_squeeze %parallel_loop3A_425 : memref<1x32768xf32, #tpu.memory_space<vmem>> -> memref<32768xf32, #tpu.memory_space<vmem>>
        %parallel_loop3A_427 = arith.index_cast %parallel_loop3A_423 : i32 to index
        %parallel_loop3A_428 = tpu.vector_load %parallel_loop3A_426[%parallel_loop3A_427] {strides = array<i32>} : memref<32768xf32, #tpu.memory_space<vmem>>, vector<16xf32>,
        tpu.vector_store %parallel_loop3A_426[%parallel_loop3A_427], %parallel_loop3A_419 {strides = array<i32>} : memref<32768xf32, #tpu.memory_space<vmem>>, vector<16xf32>,
        %parallel_loop3A_429 = arith.constant 128 : i32
        %parallel_loop3A_430 = vector.broadcast %parallel_loop3A_429 : i32 to vector<16xi32>
        %parallel_loop3A_431 = arith.addi %parallel_loop3A_315, %parallel_loop3A_430 : vector<16xi32>
        %parallel_loop3A_432 = tpu.vector_load_idx %arg5[%parallel_loop3A_431] : memref<12800xf32, #tpu.memory_space<vmem>>[vector<16xi32>], vector<16xf32>,
        %parallel_loop3A_433 = arith.constant 16384 : i32
        %parallel_loop3A_434 = arith.addi %parallel_loop3A_433, %parallel_loop3A_324 : i32
        %parallel_loop3A_435 = arith.constant 0 : i32
        %parallel_loop3A_436 = arith.addi %parallel_loop3A_434, %parallel_loop3A_435 : i32
        %parallel_loop3A_437 = arith.constant 0 : i32
        %parallel_loop3A_438 = tpu.memref_slice %arg7[%parallel_loop3A_157, %parallel_loop3A_437] : memref<2x32768xf32, #tpu.memory_space<vmem>> -> memref<1x32768xf32, #tpu.memory_space<vmem>>
        %parallel_loop3A_439 = tpu.memref_squeeze %parallel_loop3A_438 : memref<1x32768xf32, #tpu.memory_space<vmem>> -> memref<32768xf32, #tpu.memory_space<vmem>>
        %parallel_loop3A_440 = arith.index_cast %parallel_loop3A_436 : i32 to index
        %parallel_loop3A_441 = tpu.vector_load %parallel_loop3A_439[%parallel_loop3A_440] {strides = array<i32>} : memref<32768xf32, #tpu.memory_space<vmem>>, vector<16xf32>,
        tpu.vector_store %parallel_loop3A_439[%parallel_loop3A_440], %parallel_loop3A_432 {strides = array<i32>} : memref<32768xf32, #tpu.memory_space<vmem>>, vector<16xf32>,
        %parallel_loop3A_442 = arith.constant 144 : i32
        %parallel_loop3A_443 = vector.broadcast %parallel_loop3A_442 : i32 to vector<16xi32>
        %parallel_loop3A_444 = arith.addi %parallel_loop3A_315, %parallel_loop3A_443 : vector<16xi32>
        %parallel_loop3A_445 = tpu.vector_load_idx %arg5[%parallel_loop3A_444] : memref<12800xf32, #tpu.memory_space<vmem>>[vector<16xi32>], vector<16xf32>,
        %parallel_loop3A_446 = arith.constant 16384 : i32
        %parallel_loop3A_447 = arith.addi %parallel_loop3A_446, %parallel_loop3A_324 : i32
        %parallel_loop3A_448 = arith.constant 128 : i32
        %parallel_loop3A_449 = arith.addi %parallel_loop3A_447, %parallel_loop3A_448 : i32
        %parallel_loop3A_450 = arith.constant 0 : i32
        %parallel_loop3A_451 = tpu.memref_slice %arg7[%parallel_loop3A_157, %parallel_loop3A_450] : memref<2x32768xf32, #tpu.memory_space<vmem>> -> memref<1x32768xf32, #tpu.memory_space<vmem>>
        %parallel_loop3A_452 = tpu.memref_squeeze %parallel_loop3A_451 : memref<1x32768xf32, #tpu.memory_space<vmem>> -> memref<32768xf32, #tpu.memory_space<vmem>>
        %parallel_loop3A_453 = arith.index_cast %parallel_loop3A_449 : i32 to index
        %parallel_loop3A_454 = tpu.vector_load %parallel_loop3A_452[%parallel_loop3A_453] {strides = array<i32>} : memref<32768xf32, #tpu.memory_space<vmem>>, vector<16xf32>,
        tpu.vector_store %parallel_loop3A_452[%parallel_loop3A_453], %parallel_loop3A_445 {strides = array<i32>} : memref<32768xf32, #tpu.memory_space<vmem>>, vector<16xf32>,
        %parallel_loop3A_455 = arith.constant 160 : i32
        %parallel_loop3A_456 = vector.broadcast %parallel_loop3A_455 : i32 to vector<16xi32>
        %parallel_loop3A_457 = arith.addi %parallel_loop3A_315, %parallel_loop3A_456 : vector<16xi32>
        %parallel_loop3A_458 = tpu.vector_load_idx %arg5[%parallel_loop3A_457] : memref<12800xf32, #tpu.memory_space<vmem>>[vector<16xi32>], vector<16xf32>,
        %parallel_loop3A_459 = arith.constant 16384 : i32
        %parallel_loop3A_460 = arith.addi %parallel_loop3A_459, %parallel_loop3A_324 : i32
        %parallel_loop3A_461 = arith.constant 256 : i32
        %parallel_loop3A_462 = arith.addi %parallel_loop3A_460, %parallel_loop3A_461 : i32
        %parallel_loop3A_463 = arith.constant 0 : i32
        %parallel_loop3A_464 = tpu.memref_slice %arg7[%parallel_loop3A_157, %parallel_loop3A_463] : memref<2x32768xf32, #tpu.memory_space<vmem>> -> memref<1x32768xf32, #tpu.memory_space<vmem>>
        %parallel_loop3A_465 = tpu.memref_squeeze %parallel_loop3A_464 : memref<1x32768xf32, #tpu.memory_space<vmem>> -> memref<32768xf32, #tpu.memory_space<vmem>>
        %parallel_loop3A_466 = arith.index_cast %parallel_loop3A_462 : i32 to index
        %parallel_loop3A_467 = tpu.vector_load %parallel_loop3A_465[%parallel_loop3A_466] {strides = array<i32>} : memref<32768xf32, #tpu.memory_space<vmem>>, vector<16xf32>,
        tpu.vector_store %parallel_loop3A_465[%parallel_loop3A_466], %parallel_loop3A_458 {strides = array<i32>} : memref<32768xf32, #tpu.memory_space<vmem>>, vector<16xf32>,
        %parallel_loop3A_468 = arith.constant 176 : i32
        %parallel_loop3A_469 = vector.broadcast %parallel_loop3A_468 : i32 to vector<16xi32>
        %parallel_loop3A_470 = arith.addi %parallel_loop3A_315, %parallel_loop3A_469 : vector<16xi32>
        %parallel_loop3A_471 = tpu.vector_load_idx %arg5[%parallel_loop3A_470] : memref<12800xf32, #tpu.memory_space<vmem>>[vector<16xi32>], vector<16xf32>,
        %parallel_loop3A_472 = arith.constant 16384 : i32
        %parallel_loop3A_473 = arith.addi %parallel_loop3A_472, %parallel_loop3A_324 : i32
        %parallel_loop3A_474 = arith.constant 384 : i32
        %parallel_loop3A_475 = arith.addi %parallel_loop3A_473, %parallel_loop3A_474 : i32
        %parallel_loop3A_476 = arith.constant 0 : i32
        %parallel_loop3A_477 = tpu.memref_slice %arg7[%parallel_loop3A_157, %parallel_loop3A_476] : memref<2x32768xf32, #tpu.memory_space<vmem>> -> memref<1x32768xf32, #tpu.memory_space<vmem>>
        %parallel_loop3A_478 = tpu.memref_squeeze %parallel_loop3A_477 : memref<1x32768xf32, #tpu.memory_space<vmem>> -> memref<32768xf32, #tpu.memory_space<vmem>>
        %parallel_loop3A_479 = arith.index_cast %parallel_loop3A_475 : i32 to index
        %parallel_loop3A_480 = tpu.vector_load %parallel_loop3A_478[%parallel_loop3A_479] {strides = array<i32>} : memref<32768xf32, #tpu.memory_space<vmem>>, vector<16xf32>,
        tpu.vector_store %parallel_loop3A_478[%parallel_loop3A_479], %parallel_loop3A_471 {strides = array<i32>} : memref<32768xf32, #tpu.memory_space<vmem>>, vector<16xf32>,
        %parallel_loop3A_481 = arith.constant 192 : i32
        %parallel_loop3A_482 = vector.broadcast %parallel_loop3A_481 : i32 to vector<16xi32>
        %parallel_loop3A_483 = arith.addi %parallel_loop3A_315, %parallel_loop3A_482 : vector<16xi32>
        %parallel_loop3A_484 = tpu.vector_load_idx %arg5[%parallel_loop3A_483] : memref<12800xf32, #tpu.memory_space<vmem>>[vector<16xi32>], vector<16xf32>,
        %parallel_loop3A_485 = arith.constant 16384 : i32
        %parallel_loop3A_486 = arith.addi %parallel_loop3A_485, %parallel_loop3A_324 : i32
        %parallel_loop3A_487 = arith.constant 512 : i32
        %parallel_loop3A_488 = arith.addi %parallel_loop3A_486, %parallel_loop3A_487 : i32
        %parallel_loop3A_489 = arith.constant 0 : i32
        %parallel_loop3A_490 = tpu.memref_slice %arg7[%parallel_loop3A_157, %parallel_loop3A_489] : memref<2x32768xf32, #tpu.memory_space<vmem>> -> memref<1x32768xf32, #tpu.memory_space<vmem>>
        %parallel_loop3A_491 = tpu.memref_squeeze %parallel_loop3A_490 : memref<1x32768xf32, #tpu.memory_space<vmem>> -> memref<32768xf32, #tpu.memory_space<vmem>>
        %parallel_loop3A_492 = arith.index_cast %parallel_loop3A_488 : i32 to index
        %parallel_loop3A_493 = tpu.vector_load %parallel_loop3A_491[%parallel_loop3A_492] {strides = array<i32>} : memref<32768xf32, #tpu.memory_space<vmem>>, vector<16xf32>,
        tpu.vector_store %parallel_loop3A_491[%parallel_loop3A_492], %parallel_loop3A_484 {strides = array<i32>} : memref<32768xf32, #tpu.memory_space<vmem>>, vector<16xf32>,
        %parallel_loop3A_494 = arith.constant 208 : i32
        %parallel_loop3A_495 = vector.broadcast %parallel_loop3A_494 : i32 to vector<16xi32>
        %parallel_loop3A_496 = arith.addi %parallel_loop3A_315, %parallel_loop3A_495 : vector<16xi32>
        %parallel_loop3A_497 = tpu.vector_load_idx %arg5[%parallel_loop3A_496] : memref<12800xf32, #tpu.memory_space<vmem>>[vector<16xi32>], vector<16xf32>,
        %parallel_loop3A_498 = arith.constant 16384 : i32
        %parallel_loop3A_499 = arith.addi %parallel_loop3A_498, %parallel_loop3A_324 : i32
        %parallel_loop3A_500 = arith.constant 640 : i32
        %parallel_loop3A_501 = arith.addi %parallel_loop3A_499, %parallel_loop3A_500 : i32
        %parallel_loop3A_502 = arith.constant 0 : i32
        %parallel_loop3A_503 = tpu.memref_slice %arg7[%parallel_loop3A_157, %parallel_loop3A_502] : memref<2x32768xf32, #tpu.memory_space<vmem>> -> memref<1x32768xf32, #tpu.memory_space<vmem>>
        %parallel_loop3A_504 = tpu.memref_squeeze %parallel_loop3A_503 : memref<1x32768xf32, #tpu.memory_space<vmem>> -> memref<32768xf32, #tpu.memory_space<vmem>>
        %parallel_loop3A_505 = arith.index_cast %parallel_loop3A_501 : i32 to index
        %parallel_loop3A_506 = tpu.vector_load %parallel_loop3A_504[%parallel_loop3A_505] {strides = array<i32>} : memref<32768xf32, #tpu.memory_space<vmem>>, vector<16xf32>,
        tpu.vector_store %parallel_loop3A_504[%parallel_loop3A_505], %parallel_loop3A_497 {strides = array<i32>} : memref<32768xf32, #tpu.memory_space<vmem>>, vector<16xf32>,
        %parallel_loop3A_507 = arith.constant 224 : i32
        %parallel_loop3A_508 = vector.broadcast %parallel_loop3A_507 : i32 to vector<16xi32>
        %parallel_loop3A_509 = arith.addi %parallel_loop3A_315, %parallel_loop3A_508 : vector<16xi32>
        %parallel_loop3A_510 = tpu.vector_load_idx %arg5[%parallel_loop3A_509] : memref<12800xf32, #tpu.memory_space<vmem>>[vector<16xi32>], vector<16xf32>,
        %parallel_loop3A_511 = arith.constant 16384 : i32
        %parallel_loop3A_512 = arith.addi %parallel_loop3A_511, %parallel_loop3A_324 : i32
        %parallel_loop3A_513 = arith.constant 768 : i32
        %parallel_loop3A_514 = arith.addi %parallel_loop3A_512, %parallel_loop3A_513 : i32
        %parallel_loop3A_515 = arith.constant 0 : i32
        %parallel_loop3A_516 = tpu.memref_slice %arg7[%parallel_loop3A_157, %parallel_loop3A_515] : memref<2x32768xf32, #tpu.memory_space<vmem>> -> memref<1x32768xf32, #tpu.memory_space<vmem>>
        %parallel_loop3A_517 = tpu.memref_squeeze %parallel_loop3A_516 : memref<1x32768xf32, #tpu.memory_space<vmem>> -> memref<32768xf32, #tpu.memory_space<vmem>>
        %parallel_loop3A_518 = arith.index_cast %parallel_loop3A_514 : i32 to index
        %parallel_loop3A_519 = tpu.vector_load %parallel_loop3A_517[%parallel_loop3A_518] {strides = array<i32>} : memref<32768xf32, #tpu.memory_space<vmem>>, vector<16xf32>,
        tpu.vector_store %parallel_loop3A_517[%parallel_loop3A_518], %parallel_loop3A_510 {strides = array<i32>} : memref<32768xf32, #tpu.memory_space<vmem>>, vector<16xf32>,
        %parallel_loop3A_520 = arith.constant 240 : i32
        %parallel_loop3A_521 = vector.broadcast %parallel_loop3A_520 : i32 to vector<16xi32>
        %parallel_loop3A_522 = arith.addi %parallel_loop3A_315, %parallel_loop3A_521 : vector<16xi32>
        %parallel_loop3A_523 = tpu.vector_load_idx %arg5[%parallel_loop3A_522] : memref<12800xf32, #tpu.memory_space<vmem>>[vector<16xi32>], vector<16xf32>,
        %parallel_loop3A_524 = arith.constant 16384 : i32
        %parallel_loop3A_525 = arith.addi %parallel_loop3A_524, %parallel_loop3A_324 : i32
        %parallel_loop3A_526 = arith.constant 896 : i32
        %parallel_loop3A_527 = arith.addi %parallel_loop3A_525, %parallel_loop3A_526 : i32
        %parallel_loop3A_528 = arith.constant 0 : i32
        %parallel_loop3A_529 = tpu.memref_slice %arg7[%parallel_loop3A_157, %parallel_loop3A_528] : memref<2x32768xf32, #tpu.memory_space<vmem>> -> memref<1x32768xf32, #tpu.memory_space<vmem>>
        %parallel_loop3A_530 = tpu.memref_squeeze %parallel_loop3A_529 : memref<1x32768xf32, #tpu.memory_space<vmem>> -> memref<32768xf32, #tpu.memory_space<vmem>>
        %parallel_loop3A_531 = arith.index_cast %parallel_loop3A_527 : i32 to index
        %parallel_loop3A_532 = tpu.vector_load %parallel_loop3A_530[%parallel_loop3A_531] {strides = array<i32>} : memref<32768xf32, #tpu.memory_space<vmem>>, vector<16xf32>,
        tpu.vector_store %parallel_loop3A_530[%parallel_loop3A_531], %parallel_loop3A_523 {strides = array<i32>} : memref<32768xf32, #tpu.memory_space<vmem>>, vector<16xf32>,
      } {sc.loop_unroll_factor = 4 : i64, sc.parallel_access}
      %add3A_158 = arith.constant 2 : i32
      %add3A_159 = arith.addi %add3A_130, %add3A_158 : i32
      %lt3A = arith.constant 50 : i32
      %lt3A_160 = arith.cmpi slt, %add3A_159, %lt3A : i32
      %convert_element_type3A_161 = arith.extui %lt3A_160 : i1 to i32
      %cond3A_162 = arith.constant 0 : i32
      %cond3A_163 = arith.cmpi ne, %convert_element_type3A_161, %cond3A_162 : i32
      scf.if %cond3A_163 {
        %add3A_304 = arith.constant 2 : i32
        %add3A_305 = arith.addi %add3A_130, %add3A_304 : i32
        %add3A_306 = arith.addi %mul3A_2, %add3A_305 : i32
        %shift_right_arithmetic3A_307 = arith.constant 3 : i32
        %shift_right_arithmetic3A_308 = arith.shrsi %add3A_306, %shift_right_arithmetic3A_307 : i32
        %and3A_309 = arith.constant 7 : i32
        %and3A_310 = arith.andi %add3A_306, %and3A_309 : i32
        %shift_left3A_311 = arith.constant 4 : i32
        %shift_left3A_312 = arith.shli %and3A_310, %shift_left3A_311 : i32
        %mul3A_313 = arith.constant 16384 : i32
        %mul3A_314 = arith.muli %shift_right_arithmetic3A_308, %mul3A_313 : i32
        %mul3A_315 = arith.constant 128 : i32
        %mul3A_316 = arith.muli %shift_left3A_312, %mul3A_315 : i32
        %add3A_317 = arith.addi %mul3A_314, %mul3A_316 : i32
        %dma_start3A_318 = arith.constant 0 : i32
        %dma_start3A_319 = arith.constant 0 : i32
        %dma_start3A_320 = arith.constant 0 : i32
        %dma_start3A_321 = tpu.memref_slice %arg6[%dma_start3A_318, %dma_start3A_320] : memref<2x2048xi32, #tpu.memory_space<vmem>> -> memref<1x2048xi32, #tpu.memory_space<vmem>>
        %dma_start3A_322 = tpu.memref_squeeze %dma_start3A_321 : memref<1x2048xi32, #tpu.memory_space<vmem>> -> memref<2048xi32, #tpu.memory_space<vmem>>
        %dma_start3A_323 = tpu.memref_slice %arg2[%add3A_317] : memref<3276800xi32, #tpu.memory_space<hbm>> -> memref<2048xi32, #tpu.memory_space<hbm>>
        %dma_start3A_324 = tpu.memref_slice %arg8[%dma_start3A_319] : memref<2x!tpu.dma_semaphore, #tpu.memory_space<semaphore_mem>> -> memref<1x!tpu.dma_semaphore, #tpu.memory_space<semaphore_mem>>
        %dma_start3A_325 = tpu.memref_squeeze %dma_start3A_324 : memref<1x!tpu.dma_semaphore, #tpu.memory_space<semaphore_mem>> -> memref<!tpu.dma_semaphore, #tpu.memory_space<semaphore_mem>>
        %dma_start3A_326 = arith.constant 0 : i32
        %dma_start3A_327 = tpu.memref_slice %arg6[%dma_start3A_318, %dma_start3A_326] : memref<2x2048xi32, #tpu.memory_space<vmem>> -> memref<1x2048xi32, #tpu.memory_space<vmem>>
        %dma_start3A_328 = tpu.memref_squeeze %dma_start3A_327 : memref<1x2048xi32, #tpu.memory_space<vmem>> -> memref<2048xi32, #tpu.memory_space<vmem>>
        %dma_start3A_329 = tpu.memref_slice %arg2[%add3A_317] : memref<3276800xi32, #tpu.memory_space<hbm>> -> memref<2048xi32, #tpu.memory_space<hbm>>
        tpu.enqueue_dma source(%dma_start3A_329 : memref<2048xi32, #tpu.memory_space<hbm>>) target(%dma_start3A_328 : memref<2048xi32, #tpu.memory_space<vmem>>) target_semaphore(%dma_start3A_325 : memref<!tpu.dma_semaphore, #tpu.memory_space<semaphore_mem>>)
      } else {
      }
      %mul3A_164 = arith.constant 2 : i32
      %mul3A_165 = arith.muli %shift_right_arithmetic3A_133, %mul3A_164 : i32
      %add3A_166 = arith.constant 0 : i32
      %add3A_167 = arith.addi %mul3A_165, %add3A_166 : i32
      %mul3A_168 = arith.constant 128 : i32
      %mul3A_169 = arith.muli %add3A_167, %mul3A_168 : i32
      %add3A_170 = arith.addi %mul3A_169, %shift_left3A_137 : i32
      %mul3A_171 = arith.constant 1024 : i32
      %mul3A_172 = arith.muli %add3A_170, %mul3A_171 : i32
      %dma_start3A_173 = arith.constant 0 : i32
      %dma_start3A_174 = arith.constant 0 : i32
      %dma_start3A_175 = arith.constant 0 : i32
      %dma_start3A_176 = tpu.memref_slice %arg7[%dma_start3A_173, %dma_start3A_175] : memref<2x32768xf32, #tpu.memory_space<vmem>> -> memref<1x32768xf32, #tpu.memory_space<vmem>>
      %dma_start3A_177 = tpu.memref_squeeze %dma_start3A_176 : memref<1x32768xf32, #tpu.memory_space<vmem>> -> memref<32768xf32, #tpu.memory_space<vmem>>
      %dma_start3A_178 = arith.constant 0 : i32
      %dma_start3A_179 = tpu.memref_slice %dma_start3A_177[%dma_start3A_178] : memref<32768xf32, #tpu.memory_space<vmem>> -> memref<16384xf32, #tpu.memory_space<vmem>>
      %dma_start3A_180 = tpu.memref_slice %arg4[%mul3A_172] : memref<52428800xf32, #tpu.memory_space<hbm>> -> memref<16384xf32, #tpu.memory_space<hbm>>
      %dma_start3A_181 = tpu.memref_slice %arg9[%dma_start3A_174] : memref<2x!tpu.dma_semaphore, #tpu.memory_space<semaphore_mem>> -> memref<1x!tpu.dma_semaphore, #tpu.memory_space<semaphore_mem>>
      %dma_start3A_182 = tpu.memref_squeeze %dma_start3A_181 : memref<1x!tpu.dma_semaphore, #tpu.memory_space<semaphore_mem>> -> memref<!tpu.dma_semaphore, #tpu.memory_space<semaphore_mem>>
      %dma_start3A_183 = tpu.memref_slice %arg4[%mul3A_172] : memref<52428800xf32, #tpu.memory_space<hbm>> -> memref<16384xf32, #tpu.memory_space<hbm>>
      %dma_start3A_184 = arith.constant 0 : i32
      %dma_start3A_185 = tpu.memref_slice %arg7[%dma_start3A_173, %dma_start3A_184] : memref<2x32768xf32, #tpu.memory_space<vmem>> -> memref<1x32768xf32, #tpu.memory_space<vmem>>
      %dma_start3A_186 = tpu.memref_squeeze %dma_start3A_185 : memref<1x32768xf32, #tpu.memory_space<vmem>> -> memref<32768xf32, #tpu.memory_space<vmem>>
      %dma_start3A_187 = arith.constant 0 : i32
      %dma_start3A_188 = tpu.memref_slice %dma_start3A_186[%dma_start3A_187] : memref<32768xf32, #tpu.memory_space<vmem>> -> memref<16384xf32, #tpu.memory_space<vmem>>
      tpu.enqueue_dma source(%dma_start3A_188 : memref<16384xf32, #tpu.memory_space<vmem>>) target(%dma_start3A_183 : memref<16384xf32, #tpu.memory_space<hbm>>) target_semaphore(%dma_start3A_182 : memref<!tpu.dma_semaphore, #tpu.memory_space<semaphore_mem>>)
      %mul3A_189 = arith.constant 2 : i32
      %mul3A_190 = arith.muli %shift_right_arithmetic3A_133, %mul3A_189 : i32
      %add3A_191 = arith.constant 1 : i32
      %add3A_192 = arith.addi %mul3A_190, %add3A_191 : i32
      %mul3A_193 = arith.constant 128 : i32
      %mul3A_194 = arith.muli %add3A_192, %mul3A_193 : i32
      %add3A_195 = arith.addi %mul3A_194, %shift_left3A_137 : i32
      %mul3A_196 = arith.constant 1024 : i32
      %mul3A_197 = arith.muli %add3A_195, %mul3A_196 : i32
      %dma_start3A_198 = arith.constant 0 : i32
      %dma_start3A_199 = arith.constant 0 : i32
      %dma_start3A_200 = arith.constant 0 : i32
      %dma_start3A_201 = tpu.memref_slice %arg7[%dma_start3A_198, %dma_start3A_200] : memref<2x32768xf32, #tpu.memory_space<vmem>> -> memref<1x32768xf32, #tpu.memory_space<vmem>>
      %dma_start3A_202 = tpu.memref_squeeze %dma_start3A_201 : memref<1x32768xf32, #tpu.memory_space<vmem>> -> memref<32768xf32, #tpu.memory_space<vmem>>
      %dma_start3A_203 = arith.constant 16384 : i32
      %dma_start3A_204 = tpu.memref_slice %dma_start3A_202[%dma_start3A_203] : memref<32768xf32, #tpu.memory_space<vmem>> -> memref<16384xf32, #tpu.memory_space<vmem>>
      %dma_start3A_205 = tpu.memref_slice %arg4[%mul3A_197] : memref<52428800xf32, #tpu.memory_space<hbm>> -> memref<16384xf32, #tpu.memory_space<hbm>>
      %dma_start3A_206 = tpu.memref_slice %arg9[%dma_start3A_199] : memref<2x!tpu.dma_semaphore, #tpu.memory_space<semaphore_mem>> -> memref<1x!tpu.dma_semaphore, #tpu.memory_space<semaphore_mem>>
      %dma_start3A_207 = tpu.memref_squeeze %dma_start3A_206 : memref<1x!tpu.dma_semaphore, #tpu.memory_space<semaphore_mem>> -> memref<!tpu.dma_semaphore, #tpu.memory_space<semaphore_mem>>
      %dma_start3A_208 = tpu.memref_slice %arg4[%mul3A_197] : memref<52428800xf32, #tpu.memory_space<hbm>> -> memref<16384xf32, #tpu.memory_space<hbm>>
      %dma_start3A_209 = arith.constant 0 : i32
      %dma_start3A_210 = tpu.memref_slice %arg7[%dma_start3A_198, %dma_start3A_209] : memref<2x32768xf32, #tpu.memory_space<vmem>> -> memref<1x32768xf32, #tpu.memory_space<vmem>>
      %dma_start3A_211 = tpu.memref_squeeze %dma_start3A_210 : memref<1x32768xf32, #tpu.memory_space<vmem>> -> memref<32768xf32, #tpu.memory_space<vmem>>
      %dma_start3A_212 = arith.constant 16384 : i32
      %dma_start3A_213 = tpu.memref_slice %dma_start3A_211[%dma_start3A_212] : memref<32768xf32, #tpu.memory_space<vmem>> -> memref<16384xf32, #tpu.memory_space<vmem>>
      tpu.enqueue_dma source(%dma_start3A_213 : memref<16384xf32, #tpu.memory_space<vmem>>) target(%dma_start3A_208 : memref<16384xf32, #tpu.memory_space<hbm>>) target_semaphore(%dma_start3A_207 : memref<!tpu.dma_semaphore, #tpu.memory_space<semaphore_mem>>)
      %add3A_214 = arith.constant 1 : i32
      %add3A_215 = arith.addi %add3A_128, %add3A_214 : i32
      %add3A_216 = arith.addi %mul3A_2, %add3A_215 : i32
      %shift_right_arithmetic3A_217 = arith.constant 3 : i32
      %shift_right_arithmetic3A_218 = arith.shrsi %add3A_216, %shift_right_arithmetic3A_217 : i32
      %and3A_219 = arith.constant 7 : i32
      %and3A_220 = arith.andi %add3A_216, %and3A_219 : i32
      %shift_left3A_221 = arith.constant 4 : i32
      %shift_left3A_222 = arith.shli %and3A_220, %shift_left3A_221 : i32
      %ge3A_223 = arith.constant 2 : i32
      %ge3A_224 = arith.cmpi sge, %add3A_215, %ge3A_223 : i32
      %convert_element_type3A_225 = arith.extui %ge3A_224 : i1 to i32
      %cond3A_226 = arith.constant 0 : i32
      %cond3A_227 = arith.cmpi ne, %convert_element_type3A_225, %cond3A_226 : i32
      scf.if %cond3A_227 {
        %dma_wait3A_304 = arith.constant 1 : i32
        %dma_wait3A_305 = arith.constant 1 : i32
        %dma_wait3A_306 = arith.constant 0 : i32
        %dma_wait3A_307 = tpu.memref_slice %arg7[%dma_wait3A_304, %dma_wait3A_306] : memref<2x32768xf32, #tpu.memory_space<vmem>> -> memref<1x32768xf32, #tpu.memory_space<vmem>>
        %dma_wait3A_308 = tpu.memref_squeeze %dma_wait3A_307 : memref<1x32768xf32, #tpu.memory_space<vmem>> -> memref<32768xf32, #tpu.memory_space<vmem>>
        %dma_wait3A_309 = arith.constant 0 : i32
        %dma_wait3A_310 = tpu.memref_slice %dma_wait3A_308[%dma_wait3A_309] : memref<32768xf32, #tpu.memory_space<vmem>> -> memref<16384xf32, #tpu.memory_space<vmem>>
        %dma_wait3A_311 = arith.constant 0 : i32
        %dma_wait3A_312 = tpu.memref_slice %arg4[%dma_wait3A_311] : memref<52428800xf32, #tpu.memory_space<hbm>> -> memref<16384xf32, #tpu.memory_space<hbm>>
        %dma_wait3A_313 = tpu.memref_slice %arg9[%dma_wait3A_305] : memref<2x!tpu.dma_semaphore, #tpu.memory_space<semaphore_mem>> -> memref<1x!tpu.dma_semaphore, #tpu.memory_space<semaphore_mem>>
        %dma_wait3A_314 = tpu.memref_squeeze %dma_wait3A_313 : memref<1x!tpu.dma_semaphore, #tpu.memory_space<semaphore_mem>> -> memref<!tpu.dma_semaphore, #tpu.memory_space<semaphore_mem>>
        %dma_wait3A_315 = arith.constant 0 : i32
        %dma_wait3A_316 = tpu.memref_slice %arg4[%dma_wait3A_315] : memref<52428800xf32, #tpu.memory_space<hbm>> -> memref<16384xf32, #tpu.memory_space<hbm>>
        %dma_wait3A_317 = arith.constant 0 : i32
        %dma_wait3A_318 = tpu.memref_slice %arg7[%dma_wait3A_304, %dma_wait3A_317] : memref<2x32768xf32, #tpu.memory_space<vmem>> -> memref<1x32768xf32, #tpu.memory_space<vmem>>
        %dma_wait3A_319 = tpu.memref_squeeze %dma_wait3A_318 : memref<1x32768xf32, #tpu.memory_space<vmem>> -> memref<32768xf32, #tpu.memory_space<vmem>>
        %dma_wait3A_320 = arith.constant 0 : i32
        %dma_wait3A_321 = tpu.memref_slice %dma_wait3A_319[%dma_wait3A_320] : memref<32768xf32, #tpu.memory_space<vmem>> -> memref<16384xf32, #tpu.memory_space<vmem>>
        tpu.wait_dma2 semaphore(%dma_wait3A_314 : memref<!tpu.dma_semaphore, #tpu.memory_space<semaphore_mem>>) src(%dma_wait3A_321 : memref<16384xf32, #tpu.memory_space<vmem>>) dst(%dma_wait3A_316 : memref<16384xf32, #tpu.memory_space<hbm>>)
        %dma_wait3A_322 = arith.constant 1 : i32
        %dma_wait3A_323 = arith.constant 1 : i32
        %dma_wait3A_324 = arith.constant 0 : i32
        %dma_wait3A_325 = tpu.memref_slice %arg7[%dma_wait3A_322, %dma_wait3A_324] : memref<2x32768xf32, #tpu.memory_space<vmem>> -> memref<1x32768xf32, #tpu.memory_space<vmem>>
        %dma_wait3A_326 = tpu.memref_squeeze %dma_wait3A_325 : memref<1x32768xf32, #tpu.memory_space<vmem>> -> memref<32768xf32, #tpu.memory_space<vmem>>
        %dma_wait3A_327 = arith.constant 16384 : i32
        %dma_wait3A_328 = tpu.memref_slice %dma_wait3A_326[%dma_wait3A_327] : memref<32768xf32, #tpu.memory_space<vmem>> -> memref<16384xf32, #tpu.memory_space<vmem>>
        %dma_wait3A_329 = arith.constant 0 : i32
        %dma_wait3A_330 = tpu.memref_slice %arg4[%dma_wait3A_329] : memref<52428800xf32, #tpu.memory_space<hbm>> -> memref<16384xf32, #tpu.memory_space<hbm>>
        %dma_wait3A_331 = tpu.memref_slice %arg9[%dma_wait3A_323] : memref<2x!tpu.dma_semaphore, #tpu.memory_space<semaphore_mem>> -> memref<1x!tpu.dma_semaphore, #tpu.memory_space<semaphore_mem>>
        %dma_wait3A_332 = tpu.memref_squeeze %dma_wait3A_331 : memref<1x!tpu.dma_semaphore, #tpu.memory_space<semaphore_mem>> -> memref<!tpu.dma_semaphore, #tpu.memory_space<semaphore_mem>>
        %dma_wait3A_333 = arith.constant 0 : i32
        %dma_wait3A_334 = tpu.memref_slice %arg4[%dma_wait3A_333] : memref<52428800xf32, #tpu.memory_space<hbm>> -> memref<16384xf32, #tpu.memory_space<hbm>>
        %dma_wait3A_335 = arith.constant 0 : i32
        %dma_wait3A_336 = tpu.memref_slice %arg7[%dma_wait3A_322, %dma_wait3A_335] : memref<2x32768xf32, #tpu.memory_space<vmem>> -> memref<1x32768xf32, #tpu.memory_space<vmem>>
        %dma_wait3A_337 = tpu.memref_squeeze %dma_wait3A_336 : memref<1x32768xf32, #tpu.memory_space<vmem>> -> memref<32768xf32, #tpu.memory_space<vmem>>
        %dma_wait3A_338 = arith.constant 16384 : i32
        %dma_wait3A_339 = tpu.memref_slice %dma_wait3A_337[%dma_wait3A_338] : memref<32768xf32, #tpu.memory_space<vmem>> -> memref<16384xf32, #tpu.memory_space<vmem>>
        tpu.wait_dma2 semaphore(%dma_wait3A_332 : memref<!tpu.dma_semaphore, #tpu.memory_space<semaphore_mem>>) src(%dma_wait3A_339 : memref<16384xf32, #tpu.memory_space<vmem>>) dst(%dma_wait3A_334 : memref<16384xf32, #tpu.memory_space<hbm>>)
      } else {
      }
      %dma_wait3A_228 = arith.constant 1 : i32
      %dma_wait3A_229 = arith.constant 1 : i32
      %dma_wait3A_230 = arith.constant 0 : i32
      %dma_wait3A_231 = tpu.memref_slice %arg6[%dma_wait3A_228, %dma_wait3A_230] : memref<2x2048xi32, #tpu.memory_space<vmem>> -> memref<1x2048xi32, #tpu.memory_space<vmem>>
      %dma_wait3A_232 = tpu.memref_squeeze %dma_wait3A_231 : memref<1x2048xi32, #tpu.memory_space<vmem>> -> memref<2048xi32, #tpu.memory_space<vmem>>
      %dma_wait3A_233 = arith.constant 0 : i32
      %dma_wait3A_234 = tpu.memref_slice %arg2[%dma_wait3A_233] : memref<3276800xi32, #tpu.memory_space<hbm>> -> memref<2048xi32, #tpu.memory_space<hbm>>
      %dma_wait3A_235 = tpu.memref_slice %arg8[%dma_wait3A_229] : memref<2x!tpu.dma_semaphore, #tpu.memory_space<semaphore_mem>> -> memref<1x!tpu.dma_semaphore, #tpu.memory_space<semaphore_mem>>
      %dma_wait3A_236 = tpu.memref_squeeze %dma_wait3A_235 : memref<1x!tpu.dma_semaphore, #tpu.memory_space<semaphore_mem>> -> memref<!tpu.dma_semaphore, #tpu.memory_space<semaphore_mem>>
      %dma_wait3A_237 = arith.constant 0 : i32
      %dma_wait3A_238 = tpu.memref_slice %arg6[%dma_wait3A_228, %dma_wait3A_237] : memref<2x2048xi32, #tpu.memory_space<vmem>> -> memref<1x2048xi32, #tpu.memory_space<vmem>>
      %dma_wait3A_239 = tpu.memref_squeeze %dma_wait3A_238 : memref<1x2048xi32, #tpu.memory_space<vmem>> -> memref<2048xi32, #tpu.memory_space<vmem>>
      %dma_wait3A_240 = arith.constant 0 : i32
      %dma_wait3A_241 = tpu.memref_slice %arg2[%dma_wait3A_240] : memref<3276800xi32, #tpu.memory_space<hbm>> -> memref<2048xi32, #tpu.memory_space<hbm>>
      tpu.wait_dma2 semaphore(%dma_wait3A_236 : memref<!tpu.dma_semaphore, #tpu.memory_space<semaphore_mem>>) src(%dma_wait3A_241 : memref<2048xi32, #tpu.memory_space<hbm>>) dst(%dma_wait3A_239 : memref<2048xi32, #tpu.memory_space<vmem>>)
      %parallel_loop3A_242 = arith.constant 0 : i32
      %parallel_loop3A_243 = arith.constant 128 : i32
      %parallel_loop3A_244 = arith.constant 1 : i32
      %parallel_loop3A_245 = arith.constant 1 : i32
      %parallel_loop3A_246 = arith.constant 1 : i32
      scf.for %parallel_loop3A_304 = %parallel_loop3A_242 to %parallel_loop3A_243 step %parallel_loop3A_244  : i32 {
        %parallel_loop3A_305 = arith.constant 16 : i32
        %parallel_loop3A_306 = arith.muli %parallel_loop3A_304, %parallel_loop3A_305 : i32
        %parallel_loop3A_307 = arith.constant 0 : i32
        %parallel_loop3A_308 = tpu.memref_slice %arg6[%parallel_loop3A_245, %parallel_loop3A_307] : memref<2x2048xi32, #tpu.memory_space<vmem>> -> memref<1x2048xi32, #tpu.memory_space<vmem>>
        %parallel_loop3A_309 = tpu.memref_squeeze %parallel_loop3A_308 : memref<1x2048xi32, #tpu.memory_space<vmem>> -> memref<2048xi32, #tpu.memory_space<vmem>>
        %parallel_loop3A_310 = arith.index_cast %parallel_loop3A_306 : i32 to index
        %parallel_loop3A_311 = tpu.vector_load %parallel_loop3A_309[%parallel_loop3A_310] {strides = array<i32>} : memref<2048xi32, #tpu.memory_space<vmem>>, vector<16xi32>,
        %parallel_loop3A_312 = arith.constant 8 : i32
        %parallel_loop3A_313 = vector.broadcast %parallel_loop3A_312 : i32 to vector<16xi32>
        %parallel_loop3A_314 = arith.shli %parallel_loop3A_311, %parallel_loop3A_313 : vector<16xi32>
        %parallel_loop3A_315 = arith.addi %parallel_loop3A_314, %iota3A : vector<16xi32>
        %parallel_loop3A_316 = arith.constant 3 : i32
        %parallel_loop3A_317 = arith.shrsi %parallel_loop3A_304, %parallel_loop3A_316 : i32
        %parallel_loop3A_318 = arith.constant 10 : i32
        %parallel_loop3A_319 = arith.shli %parallel_loop3A_317, %parallel_loop3A_318 : i32
        %parallel_loop3A_320 = arith.constant 7 : i32
        %parallel_loop3A_321 = arith.andi %parallel_loop3A_304, %parallel_loop3A_320 : i32
        %parallel_loop3A_322 = arith.constant 4 : i32
        %parallel_loop3A_323 = arith.shli %parallel_loop3A_321, %parallel_loop3A_322 : i32
        %parallel_loop3A_324 = arith.addi %parallel_loop3A_319, %parallel_loop3A_323 : i32
        %parallel_loop3A_325 = arith.constant 0 : i32
        %parallel_loop3A_326 = vector.broadcast %parallel_loop3A_325 : i32 to vector<16xi32>
        %parallel_loop3A_327 = arith.addi %parallel_loop3A_315, %parallel_loop3A_326 : vector<16xi32>
        %parallel_loop3A_328 = tpu.vector_load_idx %arg5[%parallel_loop3A_327] : memref<12800xf32, #tpu.memory_space<vmem>>[vector<16xi32>], vector<16xf32>,
        %parallel_loop3A_329 = arith.constant 0 : i32
        %parallel_loop3A_330 = arith.addi %parallel_loop3A_329, %parallel_loop3A_324 : i32
        %parallel_loop3A_331 = arith.constant 0 : i32
        %parallel_loop3A_332 = arith.addi %parallel_loop3A_330, %parallel_loop3A_331 : i32
        %parallel_loop3A_333 = arith.constant 0 : i32
        %parallel_loop3A_334 = tpu.memref_slice %arg7[%parallel_loop3A_246, %parallel_loop3A_333] : memref<2x32768xf32, #tpu.memory_space<vmem>> -> memref<1x32768xf32, #tpu.memory_space<vmem>>
        %parallel_loop3A_335 = tpu.memref_squeeze %parallel_loop3A_334 : memref<1x32768xf32, #tpu.memory_space<vmem>> -> memref<32768xf32, #tpu.memory_space<vmem>>
        %parallel_loop3A_336 = arith.index_cast %parallel_loop3A_332 : i32 to index
        %parallel_loop3A_337 = tpu.vector_load %parallel_loop3A_335[%parallel_loop3A_336] {strides = array<i32>} : memref<32768xf32, #tpu.memory_space<vmem>>, vector<16xf32>,
        tpu.vector_store %parallel_loop3A_335[%parallel_loop3A_336], %parallel_loop3A_328 {strides = array<i32>} : memref<32768xf32, #tpu.memory_space<vmem>>, vector<16xf32>,
        %parallel_loop3A_338 = arith.constant 16 : i32
        %parallel_loop3A_339 = vector.broadcast %parallel_loop3A_338 : i32 to vector<16xi32>
        %parallel_loop3A_340 = arith.addi %parallel_loop3A_315, %parallel_loop3A_339 : vector<16xi32>
        %parallel_loop3A_341 = tpu.vector_load_idx %arg5[%parallel_loop3A_340] : memref<12800xf32, #tpu.memory_space<vmem>>[vector<16xi32>], vector<16xf32>,
        %parallel_loop3A_342 = arith.constant 0 : i32
        %parallel_loop3A_343 = arith.addi %parallel_loop3A_342, %parallel_loop3A_324 : i32
        %parallel_loop3A_344 = arith.constant 128 : i32
        %parallel_loop3A_345 = arith.addi %parallel_loop3A_343, %parallel_loop3A_344 : i32
        %parallel_loop3A_346 = arith.constant 0 : i32
        %parallel_loop3A_347 = tpu.memref_slice %arg7[%parallel_loop3A_246, %parallel_loop3A_346] : memref<2x32768xf32, #tpu.memory_space<vmem>> -> memref<1x32768xf32, #tpu.memory_space<vmem>>
        %parallel_loop3A_348 = tpu.memref_squeeze %parallel_loop3A_347 : memref<1x32768xf32, #tpu.memory_space<vmem>> -> memref<32768xf32, #tpu.memory_space<vmem>>
        %parallel_loop3A_349 = arith.index_cast %parallel_loop3A_345 : i32 to index
        %parallel_loop3A_350 = tpu.vector_load %parallel_loop3A_348[%parallel_loop3A_349] {strides = array<i32>} : memref<32768xf32, #tpu.memory_space<vmem>>, vector<16xf32>,
        tpu.vector_store %parallel_loop3A_348[%parallel_loop3A_349], %parallel_loop3A_341 {strides = array<i32>} : memref<32768xf32, #tpu.memory_space<vmem>>, vector<16xf32>,
        %parallel_loop3A_351 = arith.constant 32 : i32
        %parallel_loop3A_352 = vector.broadcast %parallel_loop3A_351 : i32 to vector<16xi32>
        %parallel_loop3A_353 = arith.addi %parallel_loop3A_315, %parallel_loop3A_352 : vector<16xi32>
        %parallel_loop3A_354 = tpu.vector_load_idx %arg5[%parallel_loop3A_353] : memref<12800xf32, #tpu.memory_space<vmem>>[vector<16xi32>], vector<16xf32>,
        %parallel_loop3A_355 = arith.constant 0 : i32
        %parallel_loop3A_356 = arith.addi %parallel_loop3A_355, %parallel_loop3A_324 : i32
        %parallel_loop3A_357 = arith.constant 256 : i32
        %parallel_loop3A_358 = arith.addi %parallel_loop3A_356, %parallel_loop3A_357 : i32
        %parallel_loop3A_359 = arith.constant 0 : i32
        %parallel_loop3A_360 = tpu.memref_slice %arg7[%parallel_loop3A_246, %parallel_loop3A_359] : memref<2x32768xf32, #tpu.memory_space<vmem>> -> memref<1x32768xf32, #tpu.memory_space<vmem>>
        %parallel_loop3A_361 = tpu.memref_squeeze %parallel_loop3A_360 : memref<1x32768xf32, #tpu.memory_space<vmem>> -> memref<32768xf32, #tpu.memory_space<vmem>>
        %parallel_loop3A_362 = arith.index_cast %parallel_loop3A_358 : i32 to index
        %parallel_loop3A_363 = tpu.vector_load %parallel_loop3A_361[%parallel_loop3A_362] {strides = array<i32>} : memref<32768xf32, #tpu.memory_space<vmem>>, vector<16xf32>,
        tpu.vector_store %parallel_loop3A_361[%parallel_loop3A_362], %parallel_loop3A_354 {strides = array<i32>} : memref<32768xf32, #tpu.memory_space<vmem>>, vector<16xf32>,
        %parallel_loop3A_364 = arith.constant 48 : i32
        %parallel_loop3A_365 = vector.broadcast %parallel_loop3A_364 : i32 to vector<16xi32>
        %parallel_loop3A_366 = arith.addi %parallel_loop3A_315, %parallel_loop3A_365 : vector<16xi32>
        %parallel_loop3A_367 = tpu.vector_load_idx %arg5[%parallel_loop3A_366] : memref<12800xf32, #tpu.memory_space<vmem>>[vector<16xi32>], vector<16xf32>,
        %parallel_loop3A_368 = arith.constant 0 : i32
        %parallel_loop3A_369 = arith.addi %parallel_loop3A_368, %parallel_loop3A_324 : i32
        %parallel_loop3A_370 = arith.constant 384 : i32
        %parallel_loop3A_371 = arith.addi %parallel_loop3A_369, %parallel_loop3A_370 : i32
        %parallel_loop3A_372 = arith.constant 0 : i32
        %parallel_loop3A_373 = tpu.memref_slice %arg7[%parallel_loop3A_246, %parallel_loop3A_372] : memref<2x32768xf32, #tpu.memory_space<vmem>> -> memref<1x32768xf32, #tpu.memory_space<vmem>>
        %parallel_loop3A_374 = tpu.memref_squeeze %parallel_loop3A_373 : memref<1x32768xf32, #tpu.memory_space<vmem>> -> memref<32768xf32, #tpu.memory_space<vmem>>
        %parallel_loop3A_375 = arith.index_cast %parallel_loop3A_371 : i32 to index
        %parallel_loop3A_376 = tpu.vector_load %parallel_loop3A_374[%parallel_loop3A_375] {strides = array<i32>} : memref<32768xf32, #tpu.memory_space<vmem>>, vector<16xf32>,
        tpu.vector_store %parallel_loop3A_374[%parallel_loop3A_375], %parallel_loop3A_367 {strides = array<i32>} : memref<32768xf32, #tpu.memory_space<vmem>>, vector<16xf32>,
        %parallel_loop3A_377 = arith.constant 64 : i32
        %parallel_loop3A_378 = vector.broadcast %parallel_loop3A_377 : i32 to vector<16xi32>
        %parallel_loop3A_379 = arith.addi %parallel_loop3A_315, %parallel_loop3A_378 : vector<16xi32>
        %parallel_loop3A_380 = tpu.vector_load_idx %arg5[%parallel_loop3A_379] : memref<12800xf32, #tpu.memory_space<vmem>>[vector<16xi32>], vector<16xf32>,
        %parallel_loop3A_381 = arith.constant 0 : i32
        %parallel_loop3A_382 = arith.addi %parallel_loop3A_381, %parallel_loop3A_324 : i32
        %parallel_loop3A_383 = arith.constant 512 : i32
        %parallel_loop3A_384 = arith.addi %parallel_loop3A_382, %parallel_loop3A_383 : i32
        %parallel_loop3A_385 = arith.constant 0 : i32
        %parallel_loop3A_386 = tpu.memref_slice %arg7[%parallel_loop3A_246, %parallel_loop3A_385] : memref<2x32768xf32, #tpu.memory_space<vmem>> -> memref<1x32768xf32, #tpu.memory_space<vmem>>
        %parallel_loop3A_387 = tpu.memref_squeeze %parallel_loop3A_386 : memref<1x32768xf32, #tpu.memory_space<vmem>> -> memref<32768xf32, #tpu.memory_space<vmem>>
        %parallel_loop3A_388 = arith.index_cast %parallel_loop3A_384 : i32 to index
        %parallel_loop3A_389 = tpu.vector_load %parallel_loop3A_387[%parallel_loop3A_388] {strides = array<i32>} : memref<32768xf32, #tpu.memory_space<vmem>>, vector<16xf32>,
        tpu.vector_store %parallel_loop3A_387[%parallel_loop3A_388], %parallel_loop3A_380 {strides = array<i32>} : memref<32768xf32, #tpu.memory_space<vmem>>, vector<16xf32>,
        %parallel_loop3A_390 = arith.constant 80 : i32
        %parallel_loop3A_391 = vector.broadcast %parallel_loop3A_390 : i32 to vector<16xi32>
        %parallel_loop3A_392 = arith.addi %parallel_loop3A_315, %parallel_loop3A_391 : vector<16xi32>
        %parallel_loop3A_393 = tpu.vector_load_idx %arg5[%parallel_loop3A_392] : memref<12800xf32, #tpu.memory_space<vmem>>[vector<16xi32>], vector<16xf32>,
        %parallel_loop3A_394 = arith.constant 0 : i32
        %parallel_loop3A_395 = arith.addi %parallel_loop3A_394, %parallel_loop3A_324 : i32
        %parallel_loop3A_396 = arith.constant 640 : i32
        %parallel_loop3A_397 = arith.addi %parallel_loop3A_395, %parallel_loop3A_396 : i32
        %parallel_loop3A_398 = arith.constant 0 : i32
        %parallel_loop3A_399 = tpu.memref_slice %arg7[%parallel_loop3A_246, %parallel_loop3A_398] : memref<2x32768xf32, #tpu.memory_space<vmem>> -> memref<1x32768xf32, #tpu.memory_space<vmem>>
        %parallel_loop3A_400 = tpu.memref_squeeze %parallel_loop3A_399 : memref<1x32768xf32, #tpu.memory_space<vmem>> -> memref<32768xf32, #tpu.memory_space<vmem>>
        %parallel_loop3A_401 = arith.index_cast %parallel_loop3A_397 : i32 to index
        %parallel_loop3A_402 = tpu.vector_load %parallel_loop3A_400[%parallel_loop3A_401] {strides = array<i32>} : memref<32768xf32, #tpu.memory_space<vmem>>, vector<16xf32>,
        tpu.vector_store %parallel_loop3A_400[%parallel_loop3A_401], %parallel_loop3A_393 {strides = array<i32>} : memref<32768xf32, #tpu.memory_space<vmem>>, vector<16xf32>,
        %parallel_loop3A_403 = arith.constant 96 : i32
        %parallel_loop3A_404 = vector.broadcast %parallel_loop3A_403 : i32 to vector<16xi32>
        %parallel_loop3A_405 = arith.addi %parallel_loop3A_315, %parallel_loop3A_404 : vector<16xi32>
        %parallel_loop3A_406 = tpu.vector_load_idx %arg5[%parallel_loop3A_405] : memref<12800xf32, #tpu.memory_space<vmem>>[vector<16xi32>], vector<16xf32>,
        %parallel_loop3A_407 = arith.constant 0 : i32
        %parallel_loop3A_408 = arith.addi %parallel_loop3A_407, %parallel_loop3A_324 : i32
        %parallel_loop3A_409 = arith.constant 768 : i32
        %parallel_loop3A_410 = arith.addi %parallel_loop3A_408, %parallel_loop3A_409 : i32
        %parallel_loop3A_411 = arith.constant 0 : i32
        %parallel_loop3A_412 = tpu.memref_slice %arg7[%parallel_loop3A_246, %parallel_loop3A_411] : memref<2x32768xf32, #tpu.memory_space<vmem>> -> memref<1x32768xf32, #tpu.memory_space<vmem>>
        %parallel_loop3A_413 = tpu.memref_squeeze %parallel_loop3A_412 : memref<1x32768xf32, #tpu.memory_space<vmem>> -> memref<32768xf32, #tpu.memory_space<vmem>>
        %parallel_loop3A_414 = arith.index_cast %parallel_loop3A_410 : i32 to index
        %parallel_loop3A_415 = tpu.vector_load %parallel_loop3A_413[%parallel_loop3A_414] {strides = array<i32>} : memref<32768xf32, #tpu.memory_space<vmem>>, vector<16xf32>,
        tpu.vector_store %parallel_loop3A_413[%parallel_loop3A_414], %parallel_loop3A_406 {strides = array<i32>} : memref<32768xf32, #tpu.memory_space<vmem>>, vector<16xf32>,
        %parallel_loop3A_416 = arith.constant 112 : i32
        %parallel_loop3A_417 = vector.broadcast %parallel_loop3A_416 : i32 to vector<16xi32>
        %parallel_loop3A_418 = arith.addi %parallel_loop3A_315, %parallel_loop3A_417 : vector<16xi32>
        %parallel_loop3A_419 = tpu.vector_load_idx %arg5[%parallel_loop3A_418] : memref<12800xf32, #tpu.memory_space<vmem>>[vector<16xi32>], vector<16xf32>,
        %parallel_loop3A_420 = arith.constant 0 : i32
        %parallel_loop3A_421 = arith.addi %parallel_loop3A_420, %parallel_loop3A_324 : i32
        %parallel_loop3A_422 = arith.constant 896 : i32
        %parallel_loop3A_423 = arith.addi %parallel_loop3A_421, %parallel_loop3A_422 : i32
        %parallel_loop3A_424 = arith.constant 0 : i32
        %parallel_loop3A_425 = tpu.memref_slice %arg7[%parallel_loop3A_246, %parallel_loop3A_424] : memref<2x32768xf32, #tpu.memory_space<vmem>> -> memref<1x32768xf32, #tpu.memory_space<vmem>>
        %parallel_loop3A_426 = tpu.memref_squeeze %parallel_loop3A_425 : memref<1x32768xf32, #tpu.memory_space<vmem>> -> memref<32768xf32, #tpu.memory_space<vmem>>
        %parallel_loop3A_427 = arith.index_cast %parallel_loop3A_423 : i32 to index
        %parallel_loop3A_428 = tpu.vector_load %parallel_loop3A_426[%parallel_loop3A_427] {strides = array<i32>} : memref<32768xf32, #tpu.memory_space<vmem>>, vector<16xf32>,
        tpu.vector_store %parallel_loop3A_426[%parallel_loop3A_427], %parallel_loop3A_419 {strides = array<i32>} : memref<32768xf32, #tpu.memory_space<vmem>>, vector<16xf32>,
        %parallel_loop3A_429 = arith.constant 128 : i32
        %parallel_loop3A_430 = vector.broadcast %parallel_loop3A_429 : i32 to vector<16xi32>
        %parallel_loop3A_431 = arith.addi %parallel_loop3A_315, %parallel_loop3A_430 : vector<16xi32>
        %parallel_loop3A_432 = tpu.vector_load_idx %arg5[%parallel_loop3A_431] : memref<12800xf32, #tpu.memory_space<vmem>>[vector<16xi32>], vector<16xf32>,
        %parallel_loop3A_433 = arith.constant 16384 : i32
        %parallel_loop3A_434 = arith.addi %parallel_loop3A_433, %parallel_loop3A_324 : i32
        %parallel_loop3A_435 = arith.constant 0 : i32
        %parallel_loop3A_436 = arith.addi %parallel_loop3A_434, %parallel_loop3A_435 : i32
        %parallel_loop3A_437 = arith.constant 0 : i32
        %parallel_loop3A_438 = tpu.memref_slice %arg7[%parallel_loop3A_246, %parallel_loop3A_437] : memref<2x32768xf32, #tpu.memory_space<vmem>> -> memref<1x32768xf32, #tpu.memory_space<vmem>>
        %parallel_loop3A_439 = tpu.memref_squeeze %parallel_loop3A_438 : memref<1x32768xf32, #tpu.memory_space<vmem>> -> memref<32768xf32, #tpu.memory_space<vmem>>
        %parallel_loop3A_440 = arith.index_cast %parallel_loop3A_436 : i32 to index
        %parallel_loop3A_441 = tpu.vector_load %parallel_loop3A_439[%parallel_loop3A_440] {strides = array<i32>} : memref<32768xf32, #tpu.memory_space<vmem>>, vector<16xf32>,
        tpu.vector_store %parallel_loop3A_439[%parallel_loop3A_440], %parallel_loop3A_432 {strides = array<i32>} : memref<32768xf32, #tpu.memory_space<vmem>>, vector<16xf32>,
        %parallel_loop3A_442 = arith.constant 144 : i32
        %parallel_loop3A_443 = vector.broadcast %parallel_loop3A_442 : i32 to vector<16xi32>
        %parallel_loop3A_444 = arith.addi %parallel_loop3A_315, %parallel_loop3A_443 : vector<16xi32>
        %parallel_loop3A_445 = tpu.vector_load_idx %arg5[%parallel_loop3A_444] : memref<12800xf32, #tpu.memory_space<vmem>>[vector<16xi32>], vector<16xf32>,
        %parallel_loop3A_446 = arith.constant 16384 : i32
        %parallel_loop3A_447 = arith.addi %parallel_loop3A_446, %parallel_loop3A_324 : i32
        %parallel_loop3A_448 = arith.constant 128 : i32
        %parallel_loop3A_449 = arith.addi %parallel_loop3A_447, %parallel_loop3A_448 : i32
        %parallel_loop3A_450 = arith.constant 0 : i32
        %parallel_loop3A_451 = tpu.memref_slice %arg7[%parallel_loop3A_246, %parallel_loop3A_450] : memref<2x32768xf32, #tpu.memory_space<vmem>> -> memref<1x32768xf32, #tpu.memory_space<vmem>>
        %parallel_loop3A_452 = tpu.memref_squeeze %parallel_loop3A_451 : memref<1x32768xf32, #tpu.memory_space<vmem>> -> memref<32768xf32, #tpu.memory_space<vmem>>
        %parallel_loop3A_453 = arith.index_cast %parallel_loop3A_449 : i32 to index
        %parallel_loop3A_454 = tpu.vector_load %parallel_loop3A_452[%parallel_loop3A_453] {strides = array<i32>} : memref<32768xf32, #tpu.memory_space<vmem>>, vector<16xf32>,
        tpu.vector_store %parallel_loop3A_452[%parallel_loop3A_453], %parallel_loop3A_445 {strides = array<i32>} : memref<32768xf32, #tpu.memory_space<vmem>>, vector<16xf32>,
        %parallel_loop3A_455 = arith.constant 160 : i32
        %parallel_loop3A_456 = vector.broadcast %parallel_loop3A_455 : i32 to vector<16xi32>
        %parallel_loop3A_457 = arith.addi %parallel_loop3A_315, %parallel_loop3A_456 : vector<16xi32>
        %parallel_loop3A_458 = tpu.vector_load_idx %arg5[%parallel_loop3A_457] : memref<12800xf32, #tpu.memory_space<vmem>>[vector<16xi32>], vector<16xf32>,
        %parallel_loop3A_459 = arith.constant 16384 : i32
        %parallel_loop3A_460 = arith.addi %parallel_loop3A_459, %parallel_loop3A_324 : i32
        %parallel_loop3A_461 = arith.constant 256 : i32
        %parallel_loop3A_462 = arith.addi %parallel_loop3A_460, %parallel_loop3A_461 : i32
        %parallel_loop3A_463 = arith.constant 0 : i32
        %parallel_loop3A_464 = tpu.memref_slice %arg7[%parallel_loop3A_246, %parallel_loop3A_463] : memref<2x32768xf32, #tpu.memory_space<vmem>> -> memref<1x32768xf32, #tpu.memory_space<vmem>>
        %parallel_loop3A_465 = tpu.memref_squeeze %parallel_loop3A_464 : memref<1x32768xf32, #tpu.memory_space<vmem>> -> memref<32768xf32, #tpu.memory_space<vmem>>
        %parallel_loop3A_466 = arith.index_cast %parallel_loop3A_462 : i32 to index
        %parallel_loop3A_467 = tpu.vector_load %parallel_loop3A_465[%parallel_loop3A_466] {strides = array<i32>} : memref<32768xf32, #tpu.memory_space<vmem>>, vector<16xf32>,
        tpu.vector_store %parallel_loop3A_465[%parallel_loop3A_466], %parallel_loop3A_458 {strides = array<i32>} : memref<32768xf32, #tpu.memory_space<vmem>>, vector<16xf32>,
        %parallel_loop3A_468 = arith.constant 176 : i32
        %parallel_loop3A_469 = vector.broadcast %parallel_loop3A_468 : i32 to vector<16xi32>
        %parallel_loop3A_470 = arith.addi %parallel_loop3A_315, %parallel_loop3A_469 : vector<16xi32>
        %parallel_loop3A_471 = tpu.vector_load_idx %arg5[%parallel_loop3A_470] : memref<12800xf32, #tpu.memory_space<vmem>>[vector<16xi32>], vector<16xf32>,
        %parallel_loop3A_472 = arith.constant 16384 : i32
        %parallel_loop3A_473 = arith.addi %parallel_loop3A_472, %parallel_loop3A_324 : i32
        %parallel_loop3A_474 = arith.constant 384 : i32
        %parallel_loop3A_475 = arith.addi %parallel_loop3A_473, %parallel_loop3A_474 : i32
        %parallel_loop3A_476 = arith.constant 0 : i32
        %parallel_loop3A_477 = tpu.memref_slice %arg7[%parallel_loop3A_246, %parallel_loop3A_476] : memref<2x32768xf32, #tpu.memory_space<vmem>> -> memref<1x32768xf32, #tpu.memory_space<vmem>>
        %parallel_loop3A_478 = tpu.memref_squeeze %parallel_loop3A_477 : memref<1x32768xf32, #tpu.memory_space<vmem>> -> memref<32768xf32, #tpu.memory_space<vmem>>
        %parallel_loop3A_479 = arith.index_cast %parallel_loop3A_475 : i32 to index
        %parallel_loop3A_480 = tpu.vector_load %parallel_loop3A_478[%parallel_loop3A_479] {strides = array<i32>} : memref<32768xf32, #tpu.memory_space<vmem>>, vector<16xf32>,
        tpu.vector_store %parallel_loop3A_478[%parallel_loop3A_479], %parallel_loop3A_471 {strides = array<i32>} : memref<32768xf32, #tpu.memory_space<vmem>>, vector<16xf32>,
        %parallel_loop3A_481 = arith.constant 192 : i32
        %parallel_loop3A_482 = vector.broadcast %parallel_loop3A_481 : i32 to vector<16xi32>
        %parallel_loop3A_483 = arith.addi %parallel_loop3A_315, %parallel_loop3A_482 : vector<16xi32>
        %parallel_loop3A_484 = tpu.vector_load_idx %arg5[%parallel_loop3A_483] : memref<12800xf32, #tpu.memory_space<vmem>>[vector<16xi32>], vector<16xf32>,
        %parallel_loop3A_485 = arith.constant 16384 : i32
        %parallel_loop3A_486 = arith.addi %parallel_loop3A_485, %parallel_loop3A_324 : i32
        %parallel_loop3A_487 = arith.constant 512 : i32
        %parallel_loop3A_488 = arith.addi %parallel_loop3A_486, %parallel_loop3A_487 : i32
        %parallel_loop3A_489 = arith.constant 0 : i32
        %parallel_loop3A_490 = tpu.memref_slice %arg7[%parallel_loop3A_246, %parallel_loop3A_489] : memref<2x32768xf32, #tpu.memory_space<vmem>> -> memref<1x32768xf32, #tpu.memory_space<vmem>>
        %parallel_loop3A_491 = tpu.memref_squeeze %parallel_loop3A_490 : memref<1x32768xf32, #tpu.memory_space<vmem>> -> memref<32768xf32, #tpu.memory_space<vmem>>
        %parallel_loop3A_492 = arith.index_cast %parallel_loop3A_488 : i32 to index
        %parallel_loop3A_493 = tpu.vector_load %parallel_loop3A_491[%parallel_loop3A_492] {strides = array<i32>} : memref<32768xf32, #tpu.memory_space<vmem>>, vector<16xf32>,
        tpu.vector_store %parallel_loop3A_491[%parallel_loop3A_492], %parallel_loop3A_484 {strides = array<i32>} : memref<32768xf32, #tpu.memory_space<vmem>>, vector<16xf32>,
        %parallel_loop3A_494 = arith.constant 208 : i32
        %parallel_loop3A_495 = vector.broadcast %parallel_loop3A_494 : i32 to vector<16xi32>
        %parallel_loop3A_496 = arith.addi %parallel_loop3A_315, %parallel_loop3A_495 : vector<16xi32>
        %parallel_loop3A_497 = tpu.vector_load_idx %arg5[%parallel_loop3A_496] : memref<12800xf32, #tpu.memory_space<vmem>>[vector<16xi32>], vector<16xf32>,
        %parallel_loop3A_498 = arith.constant 16384 : i32
        %parallel_loop3A_499 = arith.addi %parallel_loop3A_498, %parallel_loop3A_324 : i32
        %parallel_loop3A_500 = arith.constant 640 : i32
        %parallel_loop3A_501 = arith.addi %parallel_loop3A_499, %parallel_loop3A_500 : i32
        %parallel_loop3A_502 = arith.constant 0 : i32
        %parallel_loop3A_503 = tpu.memref_slice %arg7[%parallel_loop3A_246, %parallel_loop3A_502] : memref<2x32768xf32, #tpu.memory_space<vmem>> -> memref<1x32768xf32, #tpu.memory_space<vmem>>
        %parallel_loop3A_504 = tpu.memref_squeeze %parallel_loop3A_503 : memref<1x32768xf32, #tpu.memory_space<vmem>> -> memref<32768xf32, #tpu.memory_space<vmem>>
        %parallel_loop3A_505 = arith.index_cast %parallel_loop3A_501 : i32 to index
        %parallel_loop3A_506 = tpu.vector_load %parallel_loop3A_504[%parallel_loop3A_505] {strides = array<i32>} : memref<32768xf32, #tpu.memory_space<vmem>>, vector<16xf32>,
        tpu.vector_store %parallel_loop3A_504[%parallel_loop3A_505], %parallel_loop3A_497 {strides = array<i32>} : memref<32768xf32, #tpu.memory_space<vmem>>, vector<16xf32>,
        %parallel_loop3A_507 = arith.constant 224 : i32
        %parallel_loop3A_508 = vector.broadcast %parallel_loop3A_507 : i32 to vector<16xi32>
        %parallel_loop3A_509 = arith.addi %parallel_loop3A_315, %parallel_loop3A_508 : vector<16xi32>
        %parallel_loop3A_510 = tpu.vector_load_idx %arg5[%parallel_loop3A_509] : memref<12800xf32, #tpu.memory_space<vmem>>[vector<16xi32>], vector<16xf32>,
        %parallel_loop3A_511 = arith.constant 16384 : i32
        %parallel_loop3A_512 = arith.addi %parallel_loop3A_511, %parallel_loop3A_324 : i32
        %parallel_loop3A_513 = arith.constant 768 : i32
        %parallel_loop3A_514 = arith.addi %parallel_loop3A_512, %parallel_loop3A_513 : i32
        %parallel_loop3A_515 = arith.constant 0 : i32
        %parallel_loop3A_516 = tpu.memref_slice %arg7[%parallel_loop3A_246, %parallel_loop3A_515] : memref<2x32768xf32, #tpu.memory_space<vmem>> -> memref<1x32768xf32, #tpu.memory_space<vmem>>
        %parallel_loop3A_517 = tpu.memref_squeeze %parallel_loop3A_516 : memref<1x32768xf32, #tpu.memory_space<vmem>> -> memref<32768xf32, #tpu.memory_space<vmem>>
        %parallel_loop3A_518 = arith.index_cast %parallel_loop3A_514 : i32 to index
        %parallel_loop3A_519 = tpu.vector_load %parallel_loop3A_517[%parallel_loop3A_518] {strides = array<i32>} : memref<32768xf32, #tpu.memory_space<vmem>>, vector<16xf32>,
        tpu.vector_store %parallel_loop3A_517[%parallel_loop3A_518], %parallel_loop3A_510 {strides = array<i32>} : memref<32768xf32, #tpu.memory_space<vmem>>, vector<16xf32>,
        %parallel_loop3A_520 = arith.constant 240 : i32
        %parallel_loop3A_521 = vector.broadcast %parallel_loop3A_520 : i32 to vector<16xi32>
        %parallel_loop3A_522 = arith.addi %parallel_loop3A_315, %parallel_loop3A_521 : vector<16xi32>
        %parallel_loop3A_523 = tpu.vector_load_idx %arg5[%parallel_loop3A_522] : memref<12800xf32, #tpu.memory_space<vmem>>[vector<16xi32>], vector<16xf32>,
        %parallel_loop3A_524 = arith.constant 16384 : i32
        %parallel_loop3A_525 = arith.addi %parallel_loop3A_524, %parallel_loop3A_324 : i32
        %parallel_loop3A_526 = arith.constant 896 : i32
        %parallel_loop3A_527 = arith.addi %parallel_loop3A_525, %parallel_loop3A_526 : i32
        %parallel_loop3A_528 = arith.constant 0 : i32
        %parallel_loop3A_529 = tpu.memref_slice %arg7[%parallel_loop3A_246, %parallel_loop3A_528] : memref<2x32768xf32, #tpu.memory_space<vmem>> -> memref<1x32768xf32, #tpu.memory_space<vmem>>
        %parallel_loop3A_530 = tpu.memref_squeeze %parallel_loop3A_529 : memref<1x32768xf32, #tpu.memory_space<vmem>> -> memref<32768xf32, #tpu.memory_space<vmem>>
        %parallel_loop3A_531 = arith.index_cast %parallel_loop3A_527 : i32 to index
        %parallel_loop3A_532 = tpu.vector_load %parallel_loop3A_530[%parallel_loop3A_531] {strides = array<i32>} : memref<32768xf32, #tpu.memory_space<vmem>>, vector<16xf32>,
        tpu.vector_store %parallel_loop3A_530[%parallel_loop3A_531], %parallel_loop3A_523 {strides = array<i32>} : memref<32768xf32, #tpu.memory_space<vmem>>, vector<16xf32>,
      } {sc.loop_unroll_factor = 4 : i64, sc.parallel_access}
      %add3A_247 = arith.constant 2 : i32
      %add3A_248 = arith.addi %add3A_215, %add3A_247 : i32
      %lt3A_249 = arith.constant 50 : i32
      %lt3A_250 = arith.cmpi slt, %add3A_248, %lt3A_249 : i32
      %convert_element_type3A_251 = arith.extui %lt3A_250 : i1 to i32
      %cond3A_252 = arith.constant 0 : i32
      %cond3A_253 = arith.cmpi ne, %convert_element_type3A_251, %cond3A_252 : i32
      scf.if %cond3A_253 {
        %add3A_304 = arith.constant 2 : i32
        %add3A_305 = arith.addi %add3A_215, %add3A_304 : i32
        %add3A_306 = arith.addi %mul3A_2, %add3A_305 : i32
        %shift_right_arithmetic3A_307 = arith.constant 3 : i32
        %shift_right_arithmetic3A_308 = arith.shrsi %add3A_306, %shift_right_arithmetic3A_307 : i32
        %and3A_309 = arith.constant 7 : i32
        %and3A_310 = arith.andi %add3A_306, %and3A_309 : i32
        %shift_left3A_311 = arith.constant 4 : i32
        %shift_left3A_312 = arith.shli %and3A_310, %shift_left3A_311 : i32
        %mul3A_313 = arith.constant 16384 : i32
        %mul3A_314 = arith.muli %shift_right_arithmetic3A_308, %mul3A_313 : i32
        %mul3A_315 = arith.constant 128 : i32
        %mul3A_316 = arith.muli %shift_left3A_312, %mul3A_315 : i32
        %add3A_317 = arith.addi %mul3A_314, %mul3A_316 : i32
        %dma_start3A_318 = arith.constant 1 : i32
        %dma_start3A_319 = arith.constant 1 : i32
        %dma_start3A_320 = arith.constant 0 : i32
        %dma_start3A_321 = tpu.memref_slice %arg6[%dma_start3A_318, %dma_start3A_320] : memref<2x2048xi32, #tpu.memory_space<vmem>> -> memref<1x2048xi32, #tpu.memory_space<vmem>>
        %dma_start3A_322 = tpu.memref_squeeze %dma_start3A_321 : memref<1x2048xi32, #tpu.memory_space<vmem>> -> memref<2048xi32, #tpu.memory_space<vmem>>
        %dma_start3A_323 = tpu.memref_slice %arg2[%add3A_317] : memref<3276800xi32, #tpu.memory_space<hbm>> -> memref<2048xi32, #tpu.memory_space<hbm>>
        %dma_start3A_324 = tpu.memref_slice %arg8[%dma_start3A_319] : memref<2x!tpu.dma_semaphore, #tpu.memory_space<semaphore_mem>> -> memref<1x!tpu.dma_semaphore, #tpu.memory_space<semaphore_mem>>
        %dma_start3A_325 = tpu.memref_squeeze %dma_start3A_324 : memref<1x!tpu.dma_semaphore, #tpu.memory_space<semaphore_mem>> -> memref<!tpu.dma_semaphore, #tpu.memory_space<semaphore_mem>>
        %dma_start3A_326 = arith.constant 0 : i32
        %dma_start3A_327 = tpu.memref_slice %arg6[%dma_start3A_318, %dma_start3A_326] : memref<2x2048xi32, #tpu.memory_space<vmem>> -> memref<1x2048xi32, #tpu.memory_space<vmem>>
        %dma_start3A_328 = tpu.memref_squeeze %dma_start3A_327 : memref<1x2048xi32, #tpu.memory_space<vmem>> -> memref<2048xi32, #tpu.memory_space<vmem>>
        %dma_start3A_329 = tpu.memref_slice %arg2[%add3A_317] : memref<3276800xi32, #tpu.memory_space<hbm>> -> memref<2048xi32, #tpu.memory_space<hbm>>
        tpu.enqueue_dma source(%dma_start3A_329 : memref<2048xi32, #tpu.memory_space<hbm>>) target(%dma_start3A_328 : memref<2048xi32, #tpu.memory_space<vmem>>) target_semaphore(%dma_start3A_325 : memref<!tpu.dma_semaphore, #tpu.memory_space<semaphore_mem>>)
      } else {
      }
      %mul3A_254 = arith.constant 2 : i32
      %mul3A_255 = arith.muli %shift_right_arithmetic3A_218, %mul3A_254 : i32
      %add3A_256 = arith.constant 0 : i32
      %add3A_257 = arith.addi %mul3A_255, %add3A_256 : i32
      %mul3A_258 = arith.constant 128 : i32
      %mul3A_259 = arith.muli %add3A_257, %mul3A_258 : i32
      %add3A_260 = arith.addi %mul3A_259, %shift_left3A_222 : i32
      %mul3A_261 = arith.constant 1024 : i32
      %mul3A_262 = arith.muli %add3A_260, %mul3A_261 : i32
      %dma_start3A_263 = arith.constant 1 : i32
      %dma_start3A_264 = arith.constant 1 : i32
      %dma_start3A_265 = arith.constant 0 : i32
      %dma_start3A_266 = tpu.memref_slice %arg7[%dma_start3A_263, %dma_start3A_265] : memref<2x32768xf32, #tpu.memory_space<vmem>> -> memref<1x32768xf32, #tpu.memory_space<vmem>>
      %dma_start3A_267 = tpu.memref_squeeze %dma_start3A_266 : memref<1x32768xf32, #tpu.memory_space<vmem>> -> memref<32768xf32, #tpu.memory_space<vmem>>
      %dma_start3A_268 = arith.constant 0 : i32
      %dma_start3A_269 = tpu.memref_slice %dma_start3A_267[%dma_start3A_268] : memref<32768xf32, #tpu.memory_space<vmem>> -> memref<16384xf32, #tpu.memory_space<vmem>>
      %dma_start3A_270 = tpu.memref_slice %arg4[%mul3A_262] : memref<52428800xf32, #tpu.memory_space<hbm>> -> memref<16384xf32, #tpu.memory_space<hbm>>
      %dma_start3A_271 = tpu.memref_slice %arg9[%dma_start3A_264] : memref<2x!tpu.dma_semaphore, #tpu.memory_space<semaphore_mem>> -> memref<1x!tpu.dma_semaphore, #tpu.memory_space<semaphore_mem>>
      %dma_start3A_272 = tpu.memref_squeeze %dma_start3A_271 : memref<1x!tpu.dma_semaphore, #tpu.memory_space<semaphore_mem>> -> memref<!tpu.dma_semaphore, #tpu.memory_space<semaphore_mem>>
      %dma_start3A_273 = tpu.memref_slice %arg4[%mul3A_262] : memref<52428800xf32, #tpu.memory_space<hbm>> -> memref<16384xf32, #tpu.memory_space<hbm>>
      %dma_start3A_274 = arith.constant 0 : i32
      %dma_start3A_275 = tpu.memref_slice %arg7[%dma_start3A_263, %dma_start3A_274] : memref<2x32768xf32, #tpu.memory_space<vmem>> -> memref<1x32768xf32, #tpu.memory_space<vmem>>
      %dma_start3A_276 = tpu.memref_squeeze %dma_start3A_275 : memref<1x32768xf32, #tpu.memory_space<vmem>> -> memref<32768xf32, #tpu.memory_space<vmem>>
      %dma_start3A_277 = arith.constant 0 : i32
      %dma_start3A_278 = tpu.memref_slice %dma_start3A_276[%dma_start3A_277] : memref<32768xf32, #tpu.memory_space<vmem>> -> memref<16384xf32, #tpu.memory_space<vmem>>
      tpu.enqueue_dma source(%dma_start3A_278 : memref<16384xf32, #tpu.memory_space<vmem>>) target(%dma_start3A_273 : memref<16384xf32, #tpu.memory_space<hbm>>) target_semaphore(%dma_start3A_272 : memref<!tpu.dma_semaphore, #tpu.memory_space<semaphore_mem>>)
      %mul3A_279 = arith.constant 2 : i32
      %mul3A_280 = arith.muli %shift_right_arithmetic3A_218, %mul3A_279 : i32
      %add3A_281 = arith.constant 1 : i32
      %add3A_282 = arith.addi %mul3A_280, %add3A_281 : i32
      %mul3A_283 = arith.constant 128 : i32
      %mul3A_284 = arith.muli %add3A_282, %mul3A_283 : i32
      %add3A_285 = arith.addi %mul3A_284, %shift_left3A_222 : i32
      %mul3A_286 = arith.constant 1024 : i32
      %mul3A_287 = arith.muli %add3A_285, %mul3A_286 : i32
      %dma_start3A_288 = arith.constant 1 : i32
      %dma_start3A_289 = arith.constant 1 : i32
      %dma_start3A_290 = arith.constant 0 : i32
      %dma_start3A_291 = tpu.memref_slice %arg7[%dma_start3A_288, %dma_start3A_290] : memref<2x32768xf32, #tpu.memory_space<vmem>> -> memref<1x32768xf32, #tpu.memory_space<vmem>>
      %dma_start3A_292 = tpu.memref_squeeze %dma_start3A_291 : memref<1x32768xf32, #tpu.memory_space<vmem>> -> memref<32768xf32, #tpu.memory_space<vmem>>
      %dma_start3A_293 = arith.constant 16384 : i32
      %dma_start3A_294 = tpu.memref_slice %dma_start3A_292[%dma_start3A_293] : memref<32768xf32, #tpu.memory_space<vmem>> -> memref<16384xf32, #tpu.memory_space<vmem>>
      %dma_start3A_295 = tpu.memref_slice %arg4[%mul3A_287] : memref<52428800xf32, #tpu.memory_space<hbm>> -> memref<16384xf32, #tpu.memory_space<hbm>>
      %dma_start3A_296 = tpu.memref_slice %arg9[%dma_start3A_289] : memref<2x!tpu.dma_semaphore, #tpu.memory_space<semaphore_mem>> -> memref<1x!tpu.dma_semaphore, #tpu.memory_space<semaphore_mem>>
      %dma_start3A_297 = tpu.memref_squeeze %dma_start3A_296 : memref<1x!tpu.dma_semaphore, #tpu.memory_space<semaphore_mem>> -> memref<!tpu.dma_semaphore, #tpu.memory_space<semaphore_mem>>
      %dma_start3A_298 = tpu.memref_slice %arg4[%mul3A_287] : memref<52428800xf32, #tpu.memory_space<hbm>> -> memref<16384xf32, #tpu.memory_space<hbm>>
      %dma_start3A_299 = arith.constant 0 : i32
      %dma_start3A_300 = tpu.memref_slice %arg7[%dma_start3A_288, %dma_start3A_299] : memref<2x32768xf32, #tpu.memory_space<vmem>> -> memref<1x32768xf32, #tpu.memory_space<vmem>>
      %dma_start3A_301 = tpu.memref_squeeze %dma_start3A_300 : memref<1x32768xf32, #tpu.memory_space<vmem>> -> memref<32768xf32, #tpu.memory_space<vmem>>
      %dma_start3A_302 = arith.constant 16384 : i32
      %dma_start3A_303 = tpu.memref_slice %dma_start3A_301[%dma_start3A_302] : memref<32768xf32, #tpu.memory_space<vmem>> -> memref<16384xf32, #tpu.memory_space<vmem>>
      tpu.enqueue_dma source(%dma_start3A_303 : memref<16384xf32, #tpu.memory_space<vmem>>) target(%dma_start3A_298 : memref<16384xf32, #tpu.memory_space<hbm>>) target_semaphore(%dma_start3A_297 : memref<!tpu.dma_semaphore, #tpu.memory_space<semaphore_mem>>)
    }
    %scan3A_52 = arith.constant 25 : i32
    %dma_wait3A = arith.constant 0 : i32
    %dma_wait3A_53 = arith.constant 0 : i32
    %dma_wait3A_54 = arith.constant 0 : i32
    %dma_wait3A_55 = tpu.memref_slice %arg7[%dma_wait3A, %dma_wait3A_54] : memref<2x32768xf32, #tpu.memory_space<vmem>> -> memref<1x32768xf32, #tpu.memory_space<vmem>>
    %dma_wait3A_56 = tpu.memref_squeeze %dma_wait3A_55 : memref<1x32768xf32, #tpu.memory_space<vmem>> -> memref<32768xf32, #tpu.memory_space<vmem>>
    %dma_wait3A_57 = arith.constant 0 : i32
    %dma_wait3A_58 = tpu.memref_slice %dma_wait3A_56[%dma_wait3A_57] : memref<32768xf32, #tpu.memory_space<vmem>> -> memref<16384xf32, #tpu.memory_space<vmem>>
    %dma_wait3A_59 = arith.constant 0 : i32
    %dma_wait3A_60 = tpu.memref_slice %arg4[%dma_wait3A_59] : memref<52428800xf32, #tpu.memory_space<hbm>> -> memref<16384xf32, #tpu.memory_space<hbm>>
    %dma_wait3A_61 = tpu.memref_slice %arg9[%dma_wait3A_53] : memref<2x!tpu.dma_semaphore, #tpu.memory_space<semaphore_mem>> -> memref<1x!tpu.dma_semaphore, #tpu.memory_space<semaphore_mem>>
    %dma_wait3A_62 = tpu.memref_squeeze %dma_wait3A_61 : memref<1x!tpu.dma_semaphore, #tpu.memory_space<semaphore_mem>> -> memref<!tpu.dma_semaphore, #tpu.memory_space<semaphore_mem>>
    %dma_wait3A_63 = arith.constant 0 : i32
    %dma_wait3A_64 = tpu.memref_slice %arg4[%dma_wait3A_63] : memref<52428800xf32, #tpu.memory_space<hbm>> -> memref<16384xf32, #tpu.memory_space<hbm>>
    %dma_wait3A_65 = arith.constant 0 : i32
    %dma_wait3A_66 = tpu.memref_slice %arg7[%dma_wait3A, %dma_wait3A_65] : memref<2x32768xf32, #tpu.memory_space<vmem>> -> memref<1x32768xf32, #tpu.memory_space<vmem>>
    %dma_wait3A_67 = tpu.memref_squeeze %dma_wait3A_66 : memref<1x32768xf32, #tpu.memory_space<vmem>> -> memref<32768xf32, #tpu.memory_space<vmem>>
    %dma_wait3A_68 = arith.constant 0 : i32
    %dma_wait3A_69 = tpu.memref_slice %dma_wait3A_67[%dma_wait3A_68] : memref<32768xf32, #tpu.memory_space<vmem>> -> memref<16384xf32, #tpu.memory_space<vmem>>
    tpu.wait_dma2 semaphore(%dma_wait3A_62 : memref<!tpu.dma_semaphore, #tpu.memory_space<semaphore_mem>>) src(%dma_wait3A_69 : memref<16384xf32, #tpu.memory_space<vmem>>) dst(%dma_wait3A_64 : memref<16384xf32, #tpu.memory_space<hbm>>)
    %dma_wait3A_70 = arith.constant 0 : i32
    %dma_wait3A_71 = arith.constant 0 : i32
    %dma_wait3A_72 = arith.constant 0 : i32
    %dma_wait3A_73 = tpu.memref_slice %arg7[%dma_wait3A_70, %dma_wait3A_72] : memref<2x32768xf32, #tpu.memory_space<vmem>> -> memref<1x32768xf32, #tpu.memory_space<vmem>>
    %dma_wait3A_74 = tpu.memref_squeeze %dma_wait3A_73 : memref<1x32768xf32, #tpu.memory_space<vmem>> -> memref<32768xf32, #tpu.memory_space<vmem>>
    %dma_wait3A_75 = arith.constant 16384 : i32
    %dma_wait3A_76 = tpu.memref_slice %dma_wait3A_74[%dma_wait3A_75] : memref<32768xf32, #tpu.memory_space<vmem>> -> memref<16384xf32, #tpu.memory_space<vmem>>
    %dma_wait3A_77 = arith.constant 0 : i32
    %dma_wait3A_78 = tpu.memref_slice %arg4[%dma_wait3A_77] : memref<52428800xf32, #tpu.memory_space<hbm>> -> memref<16384xf32, #tpu.memory_space<hbm>>
    %dma_wait3A_79 = tpu.memref_slice %arg9[%dma_wait3A_71] : memref<2x!tpu.dma_semaphore, #tpu.memory_space<semaphore_mem>> -> memref<1x!tpu.dma_semaphore, #tpu.memory_space<semaphore_mem>>
    %dma_wait3A_80 = tpu.memref_squeeze %dma_wait3A_79 : memref<1x!tpu.dma_semaphore, #tpu.memory_space<semaphore_mem>> -> memref<!tpu.dma_semaphore, #tpu.memory_space<semaphore_mem>>
    %dma_wait3A_81 = arith.constant 0 : i32
    %dma_wait3A_82 = tpu.memref_slice %arg4[%dma_wait3A_81] : memref<52428800xf32, #tpu.memory_space<hbm>> -> memref<16384xf32, #tpu.memory_space<hbm>>
    %dma_wait3A_83 = arith.constant 0 : i32
    %dma_wait3A_84 = tpu.memref_slice %arg7[%dma_wait3A_70, %dma_wait3A_83] : memref<2x32768xf32, #tpu.memory_space<vmem>> -> memref<1x32768xf32, #tpu.memory_space<vmem>>
    %dma_wait3A_85 = tpu.memref_squeeze %dma_wait3A_84 : memref<1x32768xf32, #tpu.memory_space<vmem>> -> memref<32768xf32, #tpu.memory_space<vmem>>
    %dma_wait3A_86 = arith.constant 16384 : i32
    %dma_wait3A_87 = tpu.memref_slice %dma_wait3A_85[%dma_wait3A_86] : memref<32768xf32, #tpu.memory_space<vmem>> -> memref<16384xf32, #tpu.memory_space<vmem>>
    tpu.wait_dma2 semaphore(%dma_wait3A_80 : memref<!tpu.dma_semaphore, #tpu.memory_space<semaphore_mem>>) src(%dma_wait3A_87 : memref<16384xf32, #tpu.memory_space<vmem>>) dst(%dma_wait3A_82 : memref<16384xf32, #tpu.memory_space<hbm>>)
    %dma_wait3A_88 = arith.constant 1 : i32
    %dma_wait3A_89 = arith.constant 1 : i32
    %dma_wait3A_90 = arith.constant 0 : i32
    %dma_wait3A_91 = tpu.memref_slice %arg7[%dma_wait3A_88, %dma_wait3A_90] : memref<2x32768xf32, #tpu.memory_space<vmem>> -> memref<1x32768xf32, #tpu.memory_space<vmem>>
    %dma_wait3A_92 = tpu.memref_squeeze %dma_wait3A_91 : memref<1x32768xf32, #tpu.memory_space<vmem>> -> memref<32768xf32, #tpu.memory_space<vmem>>
    %dma_wait3A_93 = arith.constant 0 : i32
    %dma_wait3A_94 = tpu.memref_slice %dma_wait3A_92[%dma_wait3A_93] : memref<32768xf32, #tpu.memory_space<vmem>> -> memref<16384xf32, #tpu.memory_space<vmem>>
    %dma_wait3A_95 = arith.constant 0 : i32
    %dma_wait3A_96 = tpu.memref_slice %arg4[%dma_wait3A_95] : memref<52428800xf32, #tpu.memory_space<hbm>> -> memref<16384xf32, #tpu.memory_space<hbm>>
    %dma_wait3A_97 = tpu.memref_slice %arg9[%dma_wait3A_89] : memref<2x!tpu.dma_semaphore, #tpu.memory_space<semaphore_mem>> -> memref<1x!tpu.dma_semaphore, #tpu.memory_space<semaphore_mem>>
    %dma_wait3A_98 = tpu.memref_squeeze %dma_wait3A_97 : memref<1x!tpu.dma_semaphore, #tpu.memory_space<semaphore_mem>> -> memref<!tpu.dma_semaphore, #tpu.memory_space<semaphore_mem>>
    %dma_wait3A_99 = arith.constant 0 : i32
    %dma_wait3A_100 = tpu.memref_slice %arg4[%dma_wait3A_99] : memref<52428800xf32, #tpu.memory_space<hbm>> -> memref<16384xf32, #tpu.memory_space<hbm>>
    %dma_wait3A_101 = arith.constant 0 : i32
    %dma_wait3A_102 = tpu.memref_slice %arg7[%dma_wait3A_88, %dma_wait3A_101] : memref<2x32768xf32, #tpu.memory_space<vmem>> -> memref<1x32768xf32, #tpu.memory_space<vmem>>
    %dma_wait3A_103 = tpu.memref_squeeze %dma_wait3A_102 : memref<1x32768xf32, #tpu.memory_space<vmem>> -> memref<32768xf32, #tpu.memory_space<vmem>>
    %dma_wait3A_104 = arith.constant 0 : i32
    %dma_wait3A_105 = tpu.memref_slice %dma_wait3A_103[%dma_wait3A_104] : memref<32768xf32, #tpu.memory_space<vmem>> -> memref<16384xf32, #tpu.memory_space<vmem>>
    tpu.wait_dma2 semaphore(%dma_wait3A_98 : memref<!tpu.dma_semaphore, #tpu.memory_space<semaphore_mem>>) src(%dma_wait3A_105 : memref<16384xf32, #tpu.memory_space<vmem>>) dst(%dma_wait3A_100 : memref<16384xf32, #tpu.memory_space<hbm>>)
    %dma_wait3A_106 = arith.constant 1 : i32
    %dma_wait3A_107 = arith.constant 1 : i32
    %dma_wait3A_108 = arith.constant 0 : i32
    %dma_wait3A_109 = tpu.memref_slice %arg7[%dma_wait3A_106, %dma_wait3A_108] : memref<2x32768xf32, #tpu.memory_space<vmem>> -> memref<1x32768xf32, #tpu.memory_space<vmem>>
    %dma_wait3A_110 = tpu.memref_squeeze %dma_wait3A_109 : memref<1x32768xf32, #tpu.memory_space<vmem>> -> memref<32768xf32, #tpu.memory_space<vmem>>
    %dma_wait3A_111 = arith.constant 16384 : i32
    %dma_wait3A_112 = tpu.memref_slice %dma_wait3A_110[%dma_wait3A_111] : memref<32768xf32, #tpu.memory_space<vmem>> -> memref<16384xf32, #tpu.memory_space<vmem>>
    %dma_wait3A_113 = arith.constant 0 : i32
    %dma_wait3A_114 = tpu.memref_slice %arg4[%dma_wait3A_113] : memref<52428800xf32, #tpu.memory_space<hbm>> -> memref<16384xf32, #tpu.memory_space<hbm>>
    %dma_wait3A_115 = tpu.memref_slice %arg9[%dma_wait3A_107] : memref<2x!tpu.dma_semaphore, #tpu.memory_space<semaphore_mem>> -> memref<1x!tpu.dma_semaphore, #tpu.memory_space<semaphore_mem>>
    %dma_wait3A_116 = tpu.memref_squeeze %dma_wait3A_115 : memref<1x!tpu.dma_semaphore, #tpu.memory_space<semaphore_mem>> -> memref<!tpu.dma_semaphore, #tpu.memory_space<semaphore_mem>>
    %dma_wait3A_117 = arith.constant 0 : i32
    %dma_wait3A_118 = tpu.memref_slice %arg4[%dma_wait3A_117] : memref<52428800xf32, #tpu.memory_space<hbm>> -> memref<16384xf32, #tpu.memory_space<hbm>>
    %dma_wait3A_119 = arith.constant 0 : i32
    %dma_wait3A_120 = tpu.memref_slice %arg7[%dma_wait3A_106, %dma_wait3A_119] : memref<2x32768xf32, #tpu.memory_space<vmem>> -> memref<1x32768xf32, #tpu.memory_space<vmem>>
    %dma_wait3A_121 = tpu.memref_squeeze %dma_wait3A_120 : memref<1x32768xf32, #tpu.memory_space<vmem>> -> memref<32768xf32, #tpu.memory_space<vmem>>
    %dma_wait3A_122 = arith.constant 16384 : i32
    %dma_wait3A_123 = tpu.memref_slice %dma_wait3A_121[%dma_wait3A_122] : memref<32768xf32, #tpu.memory_space<vmem>> -> memref<16384xf32, #tpu.memory_space<vmem>>
    tpu.wait_dma2 semaphore(%dma_wait3A_116 : memref<!tpu.dma_semaphore, #tpu.memory_space<semaphore_mem>>) src(%dma_wait3A_123 : memref<16384xf32, #tpu.memory_space<vmem>>) dst(%dma_wait3A_118 : memref<16384xf32, #tpu.memory_space<hbm>>)
    return
  }
}

</mosaic_0001>

<sc_bundles>
// kernel: _lookup.3.cloned.1.call-start
scs
__scs_entry_jumppad:
0x0: {  	(pc) =	sbr.rel $0x88, $3  }
0x1: {  	(tag) =	ssettag $0x0;
	lr =	simm.s32 $0x1  }
0x2: {  	[smem:$0x3F9F] =	sst lr;
	_ =	strace $0xD0000000  }
0x3: {  	_ = 	snop  }
0x4: {  	_ = 	snop  }
0x5: {  	_ = 	snop  }
0x6: {  	_ = 	snop  }
0x7: {  	_ = 	snop  }
__scs_overlays_trampoline_lowered:
0x8: {  	[smem:$0x3FAE] =	sst s0  }
0x9: {  	[smem:$0x3FAF] =	sst s1  }
0xa: {  	[smem:$0x3FB0] =	sst s2  }
0xb: {  	[smem:$0x3FB1] =	sst s3  }
0xc: {  	[smem:$0x3FB2] =	sst s4  }
0xd: {  	[smem:$0x3FB3] =	sst s5  }
0xe: {  	[smem:$0x3FB4] =	sst s6  }
0xf: {  	[smem:$0x3FB5] =	sst s7  }
0x10: {  	[smem:$0x3FB6] =	sst s8  }
0x11: {  	[smem:$0x3FB7] =	sst s9;
	s0 =	simm.s32 @!p0 $0x0  }
0x12: {  	s1 =	sld [smem:$0x3F9D];
	s0 =	simm.s32 @p0 $0x1  }
0x13: {  	[smem:$0x3FB8] =	sst s0;
	s0 =	simm.s32 @!p1 $0x0  }
0x14: {  	s2 =	sld [smem:$0x3F9C];
	s0 =	simm.s32 @p1 $0x1  }
0x15: {  	[smem:$0x3FB9] =	sst s0;
	s0 =	simm.s32 @!p2 $0x0  }
0x16: {  	s3 =	sld [smem:$0x3FDB];
	s0 =	simm.s32 @p2 $0x1  }
0x17: {  	s4 =	simm.s32 $0x1BF5;
	[smem:$0x3FBB] =	sst s0  }
0x18: {  	s0 =	sld [smem:$0x3F9E];
	_ =	swait.ge [sflag:s4], $0x0  }
0x19: {  	s7 =	sld [smem:$0x3F9F]  }
0x1a: {  	s8 =	sadd.s32 $0xFFFFE003, lr  }
0x1b: {  	s9 =	sadd.s32 $0xFFFFFEF7, lr;
	s5 =	simm.s32 $0xFFFFFFFF;
	p2 =	slt.u32 s8, $0xFFFFF086  }
0x1c: {  	p1 =	slt.u32 s9, $0xF7A;
	s5 =	simm.s32 @!p2 $0x0  }
0x1d: {  	s5 =	simm.s32 @p1 $0x1;
	p0 =	seq.s32 s7, s2  }
0x1e: {  	s7 =	smul.u32 @!p0 $0xF7A, s2;
	p2 =	seq.s32 @!p0 s5, $0x0  }
0x1f: {  	s9 =	smul.u32 $0xF7A, s1;
	s8 =	simm.s32 @!p0 $0x1BF5;
	p2 =	por !p2, p0  }
0x20: {  	[sflag:s8] =	ssyncset.s32 @!p0 $0xFFFFF086;
	s6 =	sadd.s32 @!p0 s3, s7;
	s7 =	simm.s32 @!p0 $0x108  }
0x21: {  	s3 =	sadd.s32 s3, s9;
	s6 =	sadd.s32 @!p0 $0x88, s6;
	s7 =	simm.s32 @p2 $0x1082  }
0x22: {  	[simem:s7], [sflag:s8] =	dma.local @!p0 [hbm:s6], $0xF7A  }
0x23: {  	s9 =	sor.u32 $0xD0000000, s2;
	s6 =	simm.s32 $0x108;
	_ =	swait.ge @!p0 [sflag:s8], $0x0  }
0x24: {  	s3 =	sadd.s32 $0x88, s3;
	s6 =	simm.s32 @!p1 $0x1082;
	[sflag:s4] =	ssyncset.s32 $0xFFFFF086  }
0x25: {  	[simem:s6], [sflag:s4] =	dma.local [hbm:s3], $0xF7A  }
0x26: {  	[smem:$0x3F9F] =	sst s1;
	(tag) =	ssettag s2;
	_ =	strace s9  }
0x27: {  	s1 =	sld [smem:$0x3FAF]  }
0x28: {  	s2 =	sld [smem:$0x3FB0]  }
0x29: {  	s4 =	sld [smem:$0x3FB2]  }
0x2a: {  	p0 =	seq.s32 s5, $0x0;
	s5 =	sld [smem:$0x3FB3]  }
0x2b: {  	s6 =	sld [smem:$0x3FB4]  }
0x2c: {  	s7 =	sld [smem:$0x3FB5]  }
0x2d: {  	s3 =	simm.s32 $0x108;
	s8 =	sld [smem:$0x3FB6]  }
0x2e: {  	s3 =	simm.s32 @!p0 $0x1082;
	s9 =	sld [smem:$0x3FB7]  }
0x2f: {  	lr =	sadd.s32 s0, s3;
	s0 =	sld [smem:$0x3FAE]  }
0x30: {  	s3 =	sld [smem:$0x3FB1]  }
0x31: {  	[smem:$0x3FBA] =	sst s10  }
0x32: {  	s10 =	sld [smem:$0x3FB8];
	_ =	sdelay $0x3  }
0x33: {  	p0 =	seq.s32 s10, $0x1;
	s10 =	sld [smem:$0x3FBA];
	_ =	sdelay $0x3  }
0x34: {  	[smem:$0x3FBA] =	sst s10  }
0x35: {  	s10 =	sld [smem:$0x3FB9];
	_ =	sdelay $0x3  }
0x36: {  	p1 =	seq.s32 s10, $0x1;
	s10 =	sld [smem:$0x3FBA];
	_ =	sdelay $0x3  }
0x37: {  	[smem:$0x3FBA] =	sst s10  }
0x38: {  	s10 =	sld [smem:$0x3FBB]  }
0x39: {  	_ = 	snop;
	(pc) =	sbr.ind lr, $3  }
0x3a: {  	_ = 	snop  }
0x3b: {  	_ = 	snop  }
0x3c: {  	p2 =	seq.s32 s10, $0x1;
	s10 =	sld [smem:$0x3FBA]  }
0x3d: {  	_ =	shalt  }
0x3e: {  	_ =	shalt  }
0x3f: {  	_ =	shalt  }
0x40: {  	_ =	shalt  }
0x41: {  	_ =	shalt  }
0x42: {  	_ =	shalt  }
0x43: {  	_ =	shalt  }
0x44: {  	_ =	shalt  }
0x45: {  	_ =	shalt  }
0x46: {  	_ =	shalt  }
0x47: {  	_ =	shalt  }
0x48: {  	_ =	shalt  }
0x49: {  	_ =	shalt  }
0x4a: {  	_ =	shalt  }
0x4b: {  	_ =	shalt  }
0x4c: {  	_ =	shalt  }
0x4d: {  	_ =	shalt  }
0x4e: {  	_ =	shalt  }
0x4f: {  	_ =	shalt  }
0x50: {  	_ =	shalt  }
0x51: {  	_ =	shalt  }
0x52: {  	_ =	shalt  }
0x53: {  	_ =	shalt  }
0x54: {  	_ =	shalt  }
0x55: {  	_ =	shalt  }
0x56: {  	_ =	shalt  }
0x57: {  	_ =	shalt  }
0x58: {  	_ =	shalt  }
0x59: {  	_ =	shalt  }
0x5a: {  	_ =	shalt  }
0x5b: {  	_ =	shalt  }
0x5c: {  	_ =	shalt  }
0x5d: {  	_ =	shalt  }
0x5e: {  	_ =	shalt  }
0x5f: {  	_ =	shalt  }
0x60: {  	_ =	shalt  }
0x61: {  	_ =	shalt  }
0x62: {  	_ =	shalt  }
0x63: {  	_ =	shalt  }
0x64: {  	_ =	shalt  }
0x65: {  	_ =	shalt  }
0x66: {  	_ =	shalt  }
0x67: {  	_ =	shalt  }
0x68: {  	_ =	shalt  }
0x69: {  	_ =	shalt  }
0x6a: {  	_ =	shalt  }
0x6b: {  	_ =	shalt  }
0x6c: {  	_ =	shalt  }
0x6d: {  	_ =	shalt  }
0x6e: {  	_ =	shalt  }
0x6f: {  	_ =	shalt  }
0x70: {  	_ =	shalt  }
0x71: {  	_ =	shalt  }
0x72: {  	_ =	shalt  }
0x73: {  	_ =	shalt  }
0x74: {  	_ =	shalt  }
0x75: {  	_ =	shalt  }
0x76: {  	_ =	shalt  }
0x77: {  	_ =	shalt  }
0x78: {  	_ =	shalt  }
0x79: {  	_ =	shalt  }
0x7a: {  	_ =	shalt  }
0x7b: {  	_ =	shalt  }
0x7c: {  	_ =	shalt  }
0x7d: {  	_ =	shalt  }
0x7e: {  	_ =	shalt  }
0x7f: {  	_ =	shalt  }
0x80: {  	_ =	shalt  }
0x81: {  	_ =	shalt  }
0x82: {  	_ =	shalt  }
0x83: {  	_ =	shalt  }
0x84: {  	_ =	shalt  }
0x85: {  	_ =	shalt  }
0x86: {  	_ =	shalt  }
0x87: {  	_ =	shalt  }
.Lfunc_end0:
.L_simem_size_0:
called_computation_lowered:
.L_overlay_start_0:
0x88: {  	s2 =	sld [smem:$0x3FD9]  }
0x89: {  	s3 =	sld [smem:$0x3FFE];
	_ =	sdelay $0x1  }
0x8a: {  	s1 =	srdreg.scid  }
0x8b: {  	s0 =	sand.u32 $0x1, s1  }
0x8c: {  	s18 =	sshll.u32 s0, $0xA;
	s2 =	sadd.s32 s3, s2  }
0x8d: {  	s2 =	sadd.s32 s2, s18  }
0x8e: {  	[smem:$0x3FC6] =	sst s2  }
0x8f: {  	_ = 	snop  }
0x90: {  	s2 =	sld [smem:$0x3FC9]  }
0x91: {  	s19 =	sld [smem:$0x3FC8]  }
0x92: {  	s4 =	sld [smem:$0x3FD0];
	(tm) =	ssettm $0x1  }
0x93: {  	s5 =	sld [smem:$0x3FFB];
	_ =	sdelay $0x3  }
0x94: {  	_ =	strace s5  }
0x95: {  	s5 =	sld [smem:$0x3FFC];
	_ =	sdelay $0x3  }
0x96: {  	_ =	strace s5  }
0x97: {  	s5 =	sld [smem:$0x3FFD];
	_ =	sdelay $0x3  }
0x98: {  	_ =	strace s5  }
0x99: {  	_ =	strace $0x8FFFFFFF  }
0x9a: {  	s20 =	sld [smem:$0x3FDB];
	_ =	sdelay $0x1  }
0x9b: {  	s6 =	simm.s32 $_scs_section_size  }
0x9c: {  	s7 =	simm.s32 $_size__tile_overlayer_lowered;
	s8 =	simm.s32 $_tile_overlayer_lowered  }
0x9d: {  	s23 =	simm.s32 $0x1BFF;
	s22 =	sshll.u32 s8, $0x1;
	s5 =	sadd.s32 s6, s20  }
0x9e: {  	s9 =	simm.s32 $0x0;
	s21 =	sshll.u32 s7, $0x1;
	s7 =	sadd.s32 s22, s5  }
0x9f: {  	[timem:s9], [sflag:s23] =	dma.local [hbm:s7], s21  }
0xa0: {  	_ =	swait.ge [sflag:s23], s21  }
0xa1: {  	s6 =	ssub.s32 $0x0, s21;
	[sflag:s23] =	ssyncset.done $0x0  }
0xa2: {  	[sflag:s23] =	ssyncadd.s32 s6;
	_ =	sdelay $0x1  }
0xa3: {  	s24 =	simm.s32 $0x1B8B  }
0xa4: {  	_ =	swait.ge [sflag:s24], $0x1  }
0xa5: {  	[sflag:s24] =	ssyncset.done $0x0  }
0xa6: {  	s25 =	simm.s32 $0x1B8E;
	[sflag:s24] =	ssyncadd.s32 $0xFFFFFFFF  }
0xa7: {  	s26 =	simm.s32 $execute0_lowered;
	[smem:$0x3FD2] =	sst s25  }
0xa8: {  	s6 =	sshll.u32 s26, $0x1;
	_ =	strace $0x80000046;
	[dreg:$0x1] =	wrdreg $0xFFFFFFFF  }
0xa9: {  	s28 =	simm.s32 $_size_execute0_lowered;
	s5 =	sadd.s32 s5, s6;
	[dreg:$0x0] =	wrdreg $0x0  }
0xaa: {  	s6 =	sshll.u32 s28, $0x1;
	[dreg:$0x2] =	wrdreg s5  }
0xab: {  	[dreg:$0x3] =	wrdreg s6  }
0xac: {  	[dreg:$0x4] =	wrdreg $0xC0  }
0xad: {  	_ =	task [dreg:s9], $0x5FFFF  }
0xae: {  	[dreg:$0x1] =	wrdreg $0xFFFFFFFF  }
0xaf: {  	[dreg:$0x0] =	wrdreg $0x60  }
0xb0: {  	[dreg:$0x2] =	wrdreg s2  }
0xb1: {  	[dreg:$0x3] =	wrdreg s19  }
0xb2: {  	[dreg:$0x4] =	wrdreg s4  }
0xb3: {  	[dreg:$0x5] =	wrdreg $0x9  }
0xb4: {  	_ =	task.clear_ibuf [dreg:s9], $0x6FFFF;
	_ =	strace $0x90000046  }
0xb5: {  	s29 =	simm.s32 $0x9;
	_ =	strace $0x80000048  }
0xb6: {  	_ =	swait.ge [sflag:s29], $0x1  }
0xb7: {  	[sflag:s29] =	ssyncadd.s32 $0xFFFFFFFF  }
0xb8: {  	_ =	strace $0x90000048  }
0xb9: {  	_ =	sfence  }
0xba: {  	s30 =	sld [smem:$0x0];
	_ =	sdelay $0x2  }
0xbb: {  	s31 =	sshll.u32 s1, $0xD;
	s1 =	sshrl.u32 s1, $0x2  }
0xbc: {  	s3 =	sand.u32 $0x4000, s31;
	s1 =	sadd.s32 s1, s30  }
0xbd: {  	s0 =	sor.u32 s3, s0;
	s1 =	sshll.u32 s1, $0x11  }
0xbe: {  	s0 =	sor.u32 s1, s0  }
0xbf: {  	s0 =	sadd.s32 $0x8F2B, s0  }
0xc0: {  	[sflag:s0] =	ssyncadd.remote.s32 $0x1  }
0xc1: {  	_ =	sfence.sel $0xFFFF  }
0xc2: {  	[dreg:$0x0] =	wrdreg $0xFFFFFFFF;
	(pc) =	sbr.abs _section_cstart, $3  }
0xc3: {  	[dreg:$0x1] =	wrdreg $0xFFFFFFFF  }
0xc4: {  	_ =	task.clear_ibuf [dreg:s9], $0x2FFFF;
	_ =	strace $0x9FFFFFFF  }
0xc5: {  	(tm) =	ssettm $0x7FFFFFFF  }
tec
execute0_lowered:
.L_overlay_start_1:
0x0: {  	(tag) =	ssettag $0x1  }
0x1: {  	s0 =	srdreg.scid  }
0x2: {  	s2 =	stileid.u32;
	s1 =	rddreg [dreg:$0x0]  }
0x3: {  	s4 =	rddreg [dreg:$0x2];
	s5 =	simm.s32 $0x0;
	s16 =	simm.s32 $0x1  }
0x4: {  	s17 =	simm.s32 $0x4200;
	s0 =	sand.u32 $0x1, s0;
	s2 =	sshll.u32 s2, $0x1  }
0x5: {  	s18 =	simm.s32 $0x8200;
	s19 =	simm.s32 $0x2;
	s2 =	sor.u32 s0, s2  }
0x6: {  	s20 =	simm.s32 $0xC200;
	s21 =	simm.s32 $0x10200;
	s3 =	smul.u32 $0x19000, s2  }
0x7: {  	s24 =	simm.s32 $0x0;
	s0 =	ssub.s32 $0x2, s0;
	s6 =	sshll.u32 s2, $0xC  }
0x8: {  	v0 =	vlaneseq.u32;
	s31 =	sshrl.u32 s0, $0x1;
	s6 =	sand.u32 $0x3000, s6;
	s3 =	sand.u32 $0x3FC000, s3  }
0x9: {  	[smem:$0x7FF] =	sst s5;
	v1 =	vor.u32 $0x10, v0;
	v2 =	vor.u32 $0x20, v0;
	v3 =	vor.u32 $0x30, v0;
	s0 =	ssub.s32 s0, s31;
	s3 =	sor.u32 s6, s3  }
0xa: {  	v4 =	vor.u32 $0x40, v0;
	v5 =	vor.u32 $0x50, v0;
	v6 =	vor.u32 $0x60, v0;
	_ =	strace $0x80000047;
	s0 =	smax.u32 s0, $0x1;
	s30 =	sshrl.u32 s3, $0x3  }
0xb: {  	v7 =	vor.u32 $0x70, v0;
	v8 =	vor.u32 $0x80, v0;
	v9 =	vor.u32 $0x90, v0;
	s6 =	smul.u32 $0x32, s2;
	[dreg:$0x6] =	wrdreg s0;
	s2 =	sadd.s32 s1, s30  }
0xc: {  	s10 =	sadd.s32 $0x4000, s4;
	v10 =	vor.u32 $0xA0, v0;
	v11 =	vor.u32 $0xB0, v0;
	v12 =	vor.u32 $0xC0, v0;
	[dreg:$0x4] =	wrdreg s2;
	s2 =	sadd.s32 $0x100, s2  }
0xd: {  	v13 =	vor.u32 $0xD0, v0;
	v14 =	vor.u32 $0xE0, v0;
	v15 =	vor.u32 $0xF0, v0;
	s9 =	sadd.s32 $0x2, s6;
	s11 =	sadd.s32 $0x3, s6;
	[dreg:$0x5] =	wrdreg s2  }
.LBB2_1:
0xe: {  	s0 =	rddreg [dreg:$0x1];
	s28 =	simm.s32 $0x5  }
0xf: {  	[tilespmem:s5], [sflag:$0x5] =	stream.linear.gather [hbm4b:s0+s5], $0x3200, $0x38;
	[tilespmem:$0x14200] =	vst v63  }
0x10: {  	_ =	swait.ge [sflag:s28], $0x3200  }
0x11: {  	[sflag:s28] =	ssyncset.done $0x0  }
0x12: {  	s2 =	simm.s32 $0x3200;
	s29 =	rddreg [dreg:$0x4];
	[sflag:s28] =	ssyncadd.s32 $0xFFFFCE00  }
0x13: {  	[tilespmem:s2], [sflag:$0x1] =	stream.linear.gather [hbm4b:s29+s5], $0x800, $0x38;
	[tilespmem:$0x14200] =	vst v63  }
0x14: {  	s31 =	simm.s32 $0x3A00;
	s25 =	simm.s32 $0x0;
	s30 =	rddreg [dreg:$0x5]  }
0x15: {  	[tilespmem:s31], [sflag:$0x2] =	stream.linear.gather [hbm4b:s30+s5], $0x800, $0x38;
	[tilespmem:$0x14200] =	vst v63  }
.LBB2_2:
0x16: {  	p1 =	seq.s32 s25, $0x0  }
0x17: {  	s0 =	simm.s32 @!p1 $0x3  }
0x18: {  	_ =	swait.ge @!p1 [sflag:s0], $0x4000  }
0x19: {  	[sflag:s0] =	ssyncset.done @!p1 $0x0  }
0x1a: {  	[sflag:s0] =	ssyncadd.s32 @!p1 $0xFFFFC000  }
0x1b: {  	_ =	swait.ge @!p1 [sflag:s0], $0x4000  }
0x1c: {  	[sflag:s0] =	ssyncset.done @!p1 $0x0  }
0x1d: {  	[sflag:s0] =	ssyncadd.s32 @!p1 $0xFFFFC000  }
0x1e: {  	_ =	swait.ge [sflag:s16], $0x800  }
0x1f: {  	[sflag:s16] =	ssyncset.done $0x0  }
0x20: {  	s22 =	simm.s32 $0x3220;
	[sflag:s16] =	ssyncadd.s32 $0xFFFFF800  }
0x21: {  	v16 =	vld [tilespmem:s22+$0xFFFFFFE0];
	_ =	sdelay $0x2  }
0x22: {  	v17 =	vld [tilespmem:s22+$0x0];
	_ =	sdelay $0x1  }
0x23: {  	v18 =	vld [tilespmem:s22+$0x10];
	v16 =	vshll.u32 v16, $0x8  }
0x24: {  	v20 =	vor.u32 v0, v16;
	_ =	sdelay $0x1  }
0x25: {  	v19 =	vshll.u32 v17, $0x8  }
0x26: {  	v21 =	vor.u32 v0, v19  }
0x27: {  	v17 =	vshll.u32 v18, $0x8  }
0x28: {  	v18 =	vor.u32 v0, v17;
	v20 =	vld.idx.msk [tilespmem:v20+s5+$0x0], $0xffff  }
0x29: {  	s2 =	simm.s32 $0x0;
	v22 =	vor.u32 v1, v16  }
0x2a: {  	s26 =	simm.s32 $0x0;
	s23 =	sand.u32 $0x3C00, s2;
	v23 =	vld [tilespmem:s22+$0xFFFFFFF0]  }
0x2b: {  	s2 =	sand.u32 $0x40, s26;
	s0 =	sor.u32 $0x4200, s23;
	v21 =	vld.idx.msk [tilespmem:v21+s5+$0x0], $0xffff  }
0x2c: {  	s28 =	sor.u32 s2, s0;
	v24 =	vor.u32 v1, v19  }
0x2d: {  	s3 =	simm.s32 $0x20;
	v25 =	vld.idx.msk [tilespmem:v18+s5+$0x0], $0xffff;
	[tilespmem:s28+$0x0] =	vst v20  }
0x2e: {  	s2 =	sand.u32 $0x60, s3;
	v20 =	vor.u32 v1, v17;
	v22 =	vld.idx.msk [tilespmem:v22+s5+$0x0], $0xffff  }
0x2f: {  	s3 =	simm.s32 $0x30;
	s31 =	sor.u32 s2, s0;
	v26 =	vor.u32 v2, v16  }
0x30: {  	s7 =	sand.u32 $0x70, s3;
	v18 =	vshll.u32 v23, $0x8;
	[tilespmem:s31+$0x0] =	vst v21  }
0x31: {  	s29 =	sor.u32 s7, s0;
	v21 =	vor.u32 v0, v18;
	v23 =	vld.idx.msk [tilespmem:v24+s5+$0x0], $0xffff  }
0x32: {  	[tilespmem:s29+$0x0] =	vst v25;
	v24 =	vor.u32 v2, v19  }
0x33: {  	v20 =	vld.idx.msk [tilespmem:v20+s5+$0x0], $0xffff;
	[tilespmem:s28+$0x80] =	vst v22  }
0x34: {  	v22 =	vor.u32 v2, v17;
	v25 =	vld.idx.msk [tilespmem:v26+s5+$0x0], $0xffff  }
0x35: {  	v26 =	vor.u32 v3, v16  }
0x36: {  	v21 =	vld.idx.msk [tilespmem:v21+s5+$0x0], $0xffff;
	[tilespmem:s31+$0x80] =	vst v23  }
0x37: {  	v23 =	vor.u32 v1, v18;
	v24 =	vld.idx.msk [tilespmem:v24+s5+$0x0], $0xffff  }
0x38: {  	s8 =	simm.s32 $0x10;
	[tilespmem:s29+$0x80] =	vst v20;
	v20 =	vor.u32 v3, v19  }
0x39: {  	s2 =	sand.u32 $0x50, s8;
	v22 =	vld.idx.msk [tilespmem:v22+s5+$0x0], $0xffff;
	[tilespmem:s28+$0x100] =	vst v25  }
0x3a: {  	s30 =	sor.u32 s2, s0;
	v25 =	vld.idx.msk [tilespmem:v26+s5+$0x0], $0xffff;
	v26 =	vor.u32 v3, v17  }
0x3b: {  	[tilespmem:s30+$0x0] =	vst v21;
	v21 =	vor.u32 v4, v16  }
0x3c: {  	v23 =	vld.idx.msk [tilespmem:v23+s5+$0x0], $0xffff;
	[tilespmem:s31+$0x100] =	vst v24  }
0x3d: {  	v24 =	vor.u32 v2, v18;
	v20 =	vld.idx.msk [tilespmem:v20+s5+$0x0], $0xffff  }
0x3e: {  	[tilespmem:s29+$0x100] =	vst v22;
	v22 =	vor.u32 v4, v19  }
0x3f: {  	[tilespmem:s28+$0x180] =	vst v25;
	v25 =	vld.idx.msk [tilespmem:v26+s5+$0x0], $0xffff  }
0x40: {  	v26 =	vor.u32 v4, v17;
	v21 =	vld.idx.msk [tilespmem:v21+s5+$0x0], $0xffff  }
0x41: {  	[tilespmem:s30+$0x80] =	vst v23  }
0x42: {  	v23 =	vor.u32 v5, v16;
	v24 =	vld.idx.msk [tilespmem:v24+s5+$0x0], $0xffff;
	[tilespmem:s31+$0x180] =	vst v20  }
0x43: {  	v20 =	vor.u32 v3, v18;
	v22 =	vld.idx.msk [tilespmem:v22+s5+$0x0], $0xffff  }
0x44: {  	[tilespmem:s29+$0x180] =	vst v25;
	v25 =	vor.u32 v5, v19  }
0x45: {  	[tilespmem:s28+$0x200] =	vst v21;
	v21 =	vld.idx.msk [tilespmem:v26+s5+$0x0], $0xffff  }
0x46: {  	v26 =	vor.u32 v5, v17  }
0x47: {  	[tilespmem:s30+$0x100] =	vst v24;
	v23 =	vld.idx.msk [tilespmem:v23+s5+$0x0], $0xffff  }
0x48: {  	v24 =	vor.u32 v6, v16;
	v20 =	vld.idx.msk [tilespmem:v20+s5+$0x0], $0xffff;
	[tilespmem:s31+$0x200] =	vst v22  }
0x49: {  	v25 =	vld.idx.msk [tilespmem:v25+s5+$0x0], $0xffff  }
0x4a: {  	v27 =	vor.u32 v6, v19;
	[tilespmem:s29+$0x200] =	vst v21  }
0x4b: {  	v21 =	vld.idx.msk [tilespmem:v26+s5+$0x0], $0xffff  }
0x4c: {  	v22 =	vor.u32 v4, v18;
	[tilespmem:s28+$0x280] =	vst v23  }
0x4d: {  	s14 =	simm.s32 $0x3260;
	[tilespmem:s30+$0x180] =	vst v20;
	v23 =	vld.idx.msk [tilespmem:v24+s5+$0x0], $0xffff;
	v24 =	vor.u32 v6, v17  }
0x4e: {  	v28 =	vld [tilespmem:s14+$0x10];
	v20 =	vor.u32 v7, v16;
	[tilespmem:s31+$0x280] =	vst v25  }
0x4f: {  	v25 =	vld.idx.msk [tilespmem:v27+s5+$0x0], $0xffff  }
0x50: {  	[tilespmem:s29+$0x280] =	vst v21;
	v21 =	vld [tilespmem:s14+$0xFFFFFFE0]  }
0x51: {  	v22 =	vld.idx.msk [tilespmem:v22+s5+$0x0], $0xffff  }
0x52: {  	[tilespmem:s28+$0x300] =	vst v23;
	v23 =	vld.idx.msk [tilespmem:v24+s5+$0x0], $0xffff;
	v24 =	vor.u32 v7, v19  }
0x53: {  	v26 =	vor.u32 v5, v18;
	v27 =	vld.idx.msk [tilespmem:v20+s5+$0x0], $0xffff  }
0x54: {  	v29 =	vld [tilespmem:s14+$0x0];
	v30 =	vor.u32 v8, v16  }
0x55: {  	[tilespmem:s31+$0x300] =	vst v25;
	v25 =	vor.u32 v7, v17;
	v20 =	vshll.u32 v21, $0x8  }
0x56: {  	v31 =	vld [tilespmem:s14+$0xFFFFFFF0];
	v21 =	vshll.u32 v28, $0x8;
	v32 =	vor.u32 v0, v20  }
0x57: {  	[tilespmem:s30+$0x200] =	vst v22;
	v24 =	vld.idx.msk [tilespmem:v24+s5+$0x0], $0xffff;
	v28 =	vor.u32 v0, v21  }
0x58: {  	v33 =	vor.u32 v8, v19;
	v26 =	vld.idx.msk [tilespmem:v26+s5+$0x0], $0xffff;
	[tilespmem:s28+$0x380] =	vst v27  }
0x59: {  	[tilespmem:s29+$0x300] =	vst v23;
	v23 =	vshll.u32 v29, $0x8;
	v27 =	vor.u32 v6, v18;
	v30 =	vld.idx.msk [tilespmem:v30+s5+$0x0], $0xffff  }
0x5a: {  	v29 =	vor.u32 v0, v23;
	v25 =	vld.idx.msk [tilespmem:v25+s5+$0x0], $0xffff  }
0x5b: {  	v41 =	vor.u32 v9, v16;
	v22 =	vshll.u32 v31, $0x8;
	v31 =	vld.idx.msk [tilespmem:v32+s5+$0x0], $0xffff  }
0x5c: {  	v35 =	vor.u32 v8, v17;
	[tilespmem:s31+$0x380] =	vst v24;
	v28 =	vld.idx.msk [tilespmem:v28+s5+$0x0], $0xffff  }
0x5d: {  	s7 =	simm.s32 $0x200;
	[tilespmem:s30+$0x280] =	vst v26;
	v24 =	vor.u32 v0, v22;
	v40 =	vld.idx.msk [tilespmem:v33+s5+$0x0], $0xffff  }
0x5e: {  	s13 =	simm.s32 $0x40;
	s12 =	sand.u32 $0x3C00, s7;
	v26 =	vor.u32 v1, v20;
	v27 =	vld.idx.msk [tilespmem:v27+s5+$0x0], $0xffff  }
0x5f: {  	s2 =	sand.u32 $0x40, s13;
	s13 =	simm.s32 $0x70;
	s8 =	sor.u32 $0x4200, s12;
	v36 =	vor.u32 v1, v21;
	v29 =	vld.idx.msk [tilespmem:v29+s5+$0x0], $0xffff;
	[tilespmem:s28+$0x4000] =	vst v30  }
0x60: {  	s15 =	sand.u32 $0x70, s13;
	s2 =	sor.u32 s2, s8;
	v34 =	vor.u32 v9, v19;
	v42 =	vld.idx.msk [tilespmem:v41+s5+$0x0], $0xffff;
	[tilespmem:s29+$0x380] =	vst v25  }
0x61: {  	s0 =	sor.u32 s15, s8;
	v45 =	vor.u32 v1, v23;
	v44 =	vld.idx.msk [tilespmem:v35+s5+$0x0], $0xffff;
	[tilespmem:s2+$0x0] =	vst v31  }
0x62: {  	s22 =	simm.s32 $0x50;
	s12 =	simm.s32 $0x60;
	v30 =	vor.u32 v7, v18;
	v24 =	vld.idx.msk [tilespmem:v24+s5+$0x0], $0xffff;
	[tilespmem:s0+$0x0] =	vst v28  }
0x63: {  	s3 =	sand.u32 $0x50, s22;
	s12 =	sand.u32 $0x60, s12;
	v28 =	vor.u32 v10, v16;
	v26 =	vld.idx.msk [tilespmem:v26+s5+$0x0], $0xffff;
	[tilespmem:s31+$0x4000] =	vst v40  }
0x64: {  	s3 =	sor.u32 s3, s8;
	s8 =	sor.u32 s12, s8;
	v31 =	vor.u32 v1, v22;
	v36 =	vld.idx.msk [tilespmem:v36+s5+$0x0], $0xffff;
	[tilespmem:s30+$0x300] =	vst v27  }
0x65: {  	v47 =	vor.u32 v9, v17;
	[tilespmem:s8+$0x0] =	vst v29;
	v43 =	vld.idx.msk [tilespmem:v34+s5+$0x0], $0xffff  }
0x66: {  	v25 =	vor.u32 v2, v20;
	v29 =	vld.idx.msk [tilespmem:v45+s5+$0x0], $0xffff;
	[tilespmem:s28+$0x4080] =	vst v42  }
0x67: {  	v27 =	vor.u32 v10, v19;
	[tilespmem:s3+$0x0] =	vst v24;
	v24 =	vld.idx.msk [tilespmem:v30+s5+$0x0], $0xffff  }
0x68: {  	[tilespmem:s29+$0x4000] =	vst v44;
	v30 =	vor.u32 v2, v21;
	v28 =	vld.idx.msk [tilespmem:v28+s5+$0x0], $0xffff  }
0x69: {  	[tilespmem:s2+$0x80] =	vst v26;
	v26 =	vld.idx.msk [tilespmem:v31+s5+$0x0], $0xffff;
	v31 =	vor.u32 v8, v18  }
0x6a: {  	v46 =	vor.u32 v2, v22;
	v33 =	vld.idx.msk [tilespmem:v47+s5+$0x0], $0xffff;
	[tilespmem:s0+$0x80] =	vst v36  }
0x6b: {  	v49 =	vor.u32 v11, v16;
	v25 =	vld.idx.msk [tilespmem:v25+s5+$0x0], $0xffff;
	[tilespmem:s31+$0x4080] =	vst v43  }
0x6c: {  	v48 =	vor.u32 v3, v20;
	[tilespmem:s8+$0x80] =	vst v29;
	v27 =	vld.idx.msk [tilespmem:v27+s5+$0x0], $0xffff  }
0x6d: {  	v30 =	vld.idx.msk [tilespmem:v30+s5+$0x0], $0xffff;
	[tilespmem:s30+$0x380] =	vst v24;
	v24 =	vor.u32 v2, v23  }
0x6e: {  	v50 =	vor.u32 v11, v19;
	[tilespmem:s3+$0x80] =	vst v26;
	v26 =	vld.idx.msk [tilespmem:v31+s5+$0x0], $0xffff  }
0x6f: {  	[tilespmem:s28+$0x4100] =	vst v28;
	v28 =	vor.u32 v3, v21;
	v31 =	vld.idx.msk [tilespmem:v46+s5+$0x0], $0xffff  }
0x70: {  	v51 =	vor.u32 v9, v18;
	[tilespmem:s2+$0x100] =	vst v25;
	v25 =	vld.idx.msk [tilespmem:v49+s5+$0x0], $0xffff  }
0x71: {  	v37 =	vor.u32 v3, v22;
	v35 =	vld.idx.msk [tilespmem:v48+s5+$0x0], $0xffff;
	[tilespmem:s31+$0x4100] =	vst v27  }
0x72: {  	v27 =	vor.u32 v10, v17;
	v24 =	vld.idx.msk [tilespmem:v24+s5+$0x0], $0xffff;
	[tilespmem:s0+$0x100] =	vst v30  }
0x73: {  	v29 =	vor.u32 v4, v20;
	[tilespmem:s30+$0x4000] =	vst v26;
	v26 =	vld.idx.msk [tilespmem:v50+s5+$0x0], $0xffff  }
0x74: {  	v28 =	vld.idx.msk [tilespmem:v28+s5+$0x0], $0xffff;
	[tilespmem:s3+$0x100] =	vst v31;
	v31 =	vor.u32 v3, v23  }
0x75: {  	[tilespmem:s29+$0x4080] =	vst v33;
	v30 =	vor.u32 v12, v19;
	v52 =	vld.idx.msk [tilespmem:v51+s5+$0x0], $0xffff  }
0x76: {  	v54 =	vor.u32 v10, v18;
	v53 =	vld.idx.msk [tilespmem:v37+s5+$0x0], $0xffff;
	[tilespmem:s2+$0x180] =	vst v35  }
0x77: {  	v55 =	vor.u32 v4, v22;
	v27 =	vld.idx.msk [tilespmem:v27+s5+$0x0], $0xffff;
	[tilespmem:s8+$0x100] =	vst v24  }
0x78: {  	v29 =	vld.idx.msk [tilespmem:v29+s5+$0x0], $0xffff;
	v24 =	vor.u32 v4, v21;
	[tilespmem:s31+$0x4180] =	vst v26  }
0x79: {  	v56 =	vor.u32 v5, v20;
	[tilespmem:s0+$0x180] =	vst v28;
	v31 =	vld.idx.msk [tilespmem:v31+s5+$0x0], $0xffff  }
0x7a: {  	[tilespmem:s30+$0x4080] =	vst v52;
	v26 =	vld.idx.msk [tilespmem:v30+s5+$0x0], $0xffff;
	v30 =	vor.u32 v11, v17  }
0x7b: {  	v28 =	vor.u32 v13, v19;
	[tilespmem:s3+$0x180] =	vst v53;
	v58 =	vld.idx.msk [tilespmem:v54+s5+$0x0], $0xffff  }
0x7c: {  	v57 =	vor.u32 v4, v23;
	[tilespmem:s29+$0x4100] =	vst v27;
	v59 =	vld.idx.msk [tilespmem:v55+s5+$0x0], $0xffff  }
0x7d: {  	[tilespmem:s2+$0x200] =	vst v29;
	v29 =	vor.u32 v11, v18;
	v24 =	vld.idx.msk [tilespmem:v24+s5+$0x0], $0xffff  }
0x7e: {  	v60 =	vor.u32 v5, v22;
	v33 =	vld.idx.msk [tilespmem:v56+s5+$0x0], $0xffff;
	[tilespmem:s8+$0x180] =	vst v31  }
0x7f: {  	v27 =	vor.u32 v5, v21;
	v30 =	vld.idx.msk [tilespmem:v30+s5+$0x0], $0xffff;
	[tilespmem:s31+$0x4200] =	vst v26  }
0x80: {  	[tilespmem:s30+$0x4100] =	vst v58;
	v38 =	vld.idx.msk [tilespmem:v28+s5+$0x0], $0xffff;
	v28 =	vor.u32 v12, v17  }
0x81: {  	v31 =	vor.u32 v6, v20;
	v61 =	vld.idx.msk [tilespmem:v57+s5+$0x0], $0xffff;
	[tilespmem:s3+$0x200] =	vst v59  }
0x82: {  	v62 =	vor.u32 v5, v23;
	v39 =	vld.idx.msk [tilespmem:v29+s5+$0x0], $0xffff;
	[tilespmem:s0+$0x200] =	vst v24  }
0x83: {  	v63 =	vor.u32 v14, v19;
	v26 =	vld.idx.msk [tilespmem:v60+s5+$0x0], $0xffff;
	[tilespmem:s2+$0x280] =	vst v33  }
0x84: {  	v33 =	vld.idx.msk [tilespmem:v27+s5+$0x0], $0xffff;
	[tilespmem:s29+$0x4180] =	vst v30;
	v30 =	vor.u32 v12, v18  }
0x85: {  	s26 =	sshll.u32 s25, $0x1;
	v29 =	vld.idx.msk [tilespmem:v28+s5+$0x0], $0xffff;
	v28 =	vor.u32 v12, v16  }
0x86: {  	s15 =	sadd.s32 s6, s26;
	v35 =	vor.u32 v6, v21;
	v32 =	vld.idx.msk [tilespmem:v31+s5+$0x0], $0xffff;
	[tilespmem:s8+$0x200] =	vst v61  }
0x87: {  	s23 =	sshll.u32 s15, $0xB;
	[tilespmem:s31+$0x4280] =	vst v38;
	v34 =	vld.idx.msk [tilespmem:v62+s5+$0x0], $0xffff  }
0x88: {  	s22 =	simm.s32 $0x4;
	s12 =	sand.u32 $0x3000, s23;
	v24 =	vor.u32 v6, v23;
	v27 =	vor.u32 v13, v17;
	[tilespmem:s30+$0x4180] =	vst v39;
	v31 =	vld.idx.msk [tilespmem:v63+s5+$0x0], $0xffff  }
.LBB2_3:
0x89: {  	s22 =	sadd.s32 $0x4, s22;
	s14 =	sadd.s32 $0x40, s14;
	[tilespmem:s28+$0x4180] =	vst v25;
	v25 =	vld.idx.msk [tilespmem:v30+s5+$0x0], $0xffff  }
0x8a: {  	v30 =	vor.u32 v7, v20;
	p0 =	slt.u32 s22, $0x7C;
	[tilespmem:s0+$0x280] =	vst v33;
	v28 =	vld.idx.msk [tilespmem:v28+s5+$0x0], $0xffff  }
0x8b: {  	[tilespmem:s2+$0x300] =	vst v32;
	v32 =	vld.idx.msk [tilespmem:v35+s5+$0x0], $0xffff  }
0x8c: {  	v36 =	vor.u32 v13, v18;
	v35 =	vor.u32 v13, v16;
	v33 =	vld [tilespmem:s14+$0x0];
	[tilespmem:s29+$0x4200] =	vst v29  }
0x8d: {  	[tilespmem:s8+$0x280] =	vst v34;
	v27 =	vld.idx.msk [tilespmem:v27+s5+$0x0], $0xffff  }
0x8e: {  	v24 =	vld.idx.msk [tilespmem:v24+s5+$0x0], $0xffff;
	[tilespmem:s31+$0x4300] =	vst v31  }
0x8f: {  	v29 =	vld.idx.msk [tilespmem:v30+s5+$0x0], $0xffff;
	[tilespmem:s30+$0x4200] =	vst v25;
	v25 =	vor.u32 v14, v17  }
0x90: {  	v31 =	vor.u32 v7, v23;
	v30 =	vld [tilespmem:s14+$0x10];
	[tilespmem:s28+$0x4200] =	vst v28  }
0x91: {  	[tilespmem:s0+$0x300] =	vst v32;
	v28 =	vld.idx.msk [tilespmem:v35+s5+$0x0], $0xffff;
	v32 =	vor.u32 v15, v19;
	v19 =	vmov v23  }
0x92: {  	v23 =	vld.idx.msk [tilespmem:v36+s5+$0x0], $0xffff  }
0x93: {  	v35 =	vor.u32 v14, v16;
	v36 =	vor.u32 v14, v18;
	v34 =	vld [tilespmem:s14+$0xFFFFFFE0];
	[tilespmem:s29+$0x4280] =	vst v27  }
0x94: {  	[tilespmem:s8+$0x300] =	vst v24;
	v24 =	vld.idx.msk [tilespmem:v25+s5+$0x0], $0xffff  }
0x95: {  	v25 =	vor.u32 v8, v20;
	[tilespmem:s2+$0x380] =	vst v29;
	v27 =	vld.idx.msk [tilespmem:v31+s5+$0x0], $0xffff  }
0x96: {  	v29 =	vor.u32 v7, v21;
	v31 =	vld.idx.msk [tilespmem:v32+s5+$0x0], $0xffff  }
0x97: {  	v37 =	vor.u32 v8, v19;
	v32 =	vld [tilespmem:s14+$0xFFFFFFF0];
	[tilespmem:s28+$0x4280] =	vst v28  }
0x98: {  	v28 =	vshll.u32 v34, $0x8;
	v34 =	vld.idx.msk [tilespmem:v35+s5+$0x0], $0xffff;
	[tilespmem:s30+$0x4280] =	vst v23;
	v35 =	vor.u32 v15, v17;
	v17 =	vmovc v21;
	v21 =	vshll.u32 v30, $0x8  }
0x99: {  	v38 =	vor.u32 v15, v16;
	v16 =	vmovc v20;
	v30 =	vor.u32 v0, v28;
	v36 =	vld.idx.msk [tilespmem:v36+s5+$0x0], $0xffff;
	v20 =	vmov v28  }
0x9a: {  	v39 =	vor.u32 v15, v18;
	v18 =	vmov v22;
	v28 =	vor.u32 v0, v21;
	v25 =	vld.idx.msk [tilespmem:v25+s5+$0x0], $0xffff;
	[tilespmem:s29+$0x4300] =	vst v24  }
0x9b: {  	v23 =	vshll.u32 v33, $0x8;
	v33 =	vor.u32 v6, v18;
	[tilespmem:s8+$0x380] =	vst v27;
	v27 =	vld.idx.msk [tilespmem:v29+s5+$0x0], $0xffff  }
0x9c: {  	v24 =	vor.u32 v6, v23;
	v29 =	vor.u32 v0, v23;
	v22 =	vshll.u32 v32, $0x8;
	v32 =	vld.idx.msk [tilespmem:v37+s5+$0x0], $0xffff;
	[tilespmem:s31+$0x4380] =	vst v31;
	s31 =	smov.u32 s8  }
0x9d: {  	v31 =	vor.u32 v0, v22;
	[tilespmem:s3+$0x280] =	vst v26;
	v26 =	vld.idx.msk [tilespmem:v35+s5+$0x0], $0xffff  }
0x9e: {  	v30 =	vld.idx.msk [tilespmem:v30+s5+$0x0], $0xffff;
	[tilespmem:s28+$0x4300] =	vst v34  }
0x9f: {  	v34 =	vld.idx.msk [tilespmem:v38+s5+$0x0], $0xffff;
	[tilespmem:s30+$0x4300] =	vst v36  }
0xa0: {  	s13 =	sadd.s32 $0x40, s13;
	s7 =	sadd.s32 $0x200, s7;
	v35 =	vor.u32 v1, v20;
	v36 =	vld.idx.msk [tilespmem:v39+s5+$0x0], $0xffff  }
0xa1: {  	s23 =	sadd.s32 $0xFFFFFFD0, s13;
	s8 =	sand.u32 $0x3C00, s7;
	v37 =	vor.u32 v1, v21;
	[tilespmem:s2+$0x4000] =	vst v25;
	v25 =	vor.u32 v9, v16;
	v33 =	vld.idx.msk [tilespmem:v33+s5+$0x0], $0xffff  }
0xa2: {  	s23 =	sand.u32 $0x40, s23;
	s8 =	sor.u32 $0x4200, s8;
	v28 =	vld.idx.msk [tilespmem:v28+s5+$0x0], $0xffff;
	[tilespmem:s31+$0x4000] =	vst v32;
	v32 =	vor.u32 v9, v19  }
0xa3: {  	s23 =	sor.u32 s23, s8;
	v38 =	vor.u32 v1, v23;
	v29 =	vld.idx.msk [tilespmem:v29+s5+$0x0], $0xffff;
	[tilespmem:s0+$0x380] =	vst v27;
	v27 =	vor.u32 v8, v17  }
0xa4: {  	[tilespmem:s23+$0x0] =	vst v30;
	v30 =	vld.idx.msk [tilespmem:v31+s5+$0x0], $0xffff;
	v31 =	vor.u32 v1, v22  }
0xa5: {  	v39 =	vor.u32 v7, v18;
	v35 =	vld.idx.msk [tilespmem:v35+s5+$0x0], $0xffff;
	[tilespmem:s29+$0x4380] =	vst v26;
	s29 =	smov.u32 s0  }
0xa6: {  	s0 =	sand.u32 $0x70, s13;
	v25 =	vld.idx.msk [tilespmem:v25+s5+$0x0], $0xffff;
	[tilespmem:s28+$0x4380] =	vst v34;
	s28 =	smov.u32 s2;
	s2 =	smov.u32 s23  }
0xa7: {  	v26 =	vor.u32 v2, v20;
	s23 =	sadd.s32 $0xFFFFFFE0, s13;
	s0 =	sor.u32 s0, s8;
	v32 =	vld.idx.msk [tilespmem:v32+s5+$0x0], $0xffff;
	[tilespmem:s30+$0x4380] =	vst v36;
	s30 =	smov.u32 s3  }
0xa8: {  	s3 =	sand.u32 $0x50, s23;
	[tilespmem:s0+$0x0] =	vst v28;
	v28 =	vor.u32 v10, v16;
	v27 =	vld.idx.msk [tilespmem:v27+s5+$0x0], $0xffff  }
0xa9: {  	s3 =	sor.u32 s3, s8;
	v34 =	vld.idx.msk [tilespmem:v37+s5+$0x0], $0xffff;
	[tilespmem:s30+$0x300] =	vst v33  }
0xaa: {  	s23 =	sadd.s32 $0xFFFFFFF0, s13;
	v33 =	vor.u32 v10, v19;
	[tilespmem:s3+$0x0] =	vst v30;
	v30 =	vld.idx.msk [tilespmem:v39+s5+$0x0], $0xffff  }
0xab: {  	s23 =	sand.u32 $0x60, s23;
	[tilespmem:s2+$0x80] =	vst v35;
	v31 =	vld.idx.msk [tilespmem:v31+s5+$0x0], $0xffff;
	v35 =	vor.u32 v2, v21  }
0xac: {  	s8 =	sor.u32 s23, s8;
	v26 =	vld.idx.msk [tilespmem:v26+s5+$0x0], $0xffff;
	[tilespmem:s28+$0x4080] =	vst v25;
	v25 =	vor.u32 v8, v18  }
0xad: {  	v36 =	vor.u32 v2, v22;
	[tilespmem:s8+$0x0] =	vst v29;
	v28 =	vld.idx.msk [tilespmem:v28+s5+$0x0], $0xffff  }
0xae: {  	v29 =	vld.idx.msk [tilespmem:v38+s5+$0x0], $0xffff;
	[tilespmem:s31+$0x4080] =	vst v32;
	v32 =	vor.u32 v9, v17  }
0xaf: {  	v37 =	vor.u32 v3, v20;
	[tilespmem:s0+$0x80] =	vst v34;
	v33 =	vld.idx.msk [tilespmem:v33+s5+$0x0], $0xffff  }
0xb0: {  	v34 =	vld.idx.msk [tilespmem:v35+s5+$0x0], $0xffff;
	v35 =	vor.u32 v11, v16;
	[tilespmem:s30+$0x380] =	vst v30  }
0xb1: {  	v30 =	vor.u32 v2, v23;
	[tilespmem:s3+$0x80] =	vst v31;
	v31 =	vld.idx.msk [tilespmem:v25+s5+$0x0], $0xffff  }
0xb2: {  	v38 =	vor.u32 v11, v19;
	v36 =	vld.idx.msk [tilespmem:v36+s5+$0x0], $0xffff;
	[tilespmem:s29+$0x4000] =	vst v27  }
0xb3: {  	[tilespmem:s2+$0x100] =	vst v26;
	v26 =	vor.u32 v9, v18;
	v27 =	vld.idx.msk [tilespmem:v32+s5+$0x0], $0xffff  }
0xb4: {  	v32 =	vld.idx.msk [tilespmem:v37+s5+$0x0], $0xffff;
	v37 =	vor.u32 v3, v22;
	[tilespmem:s28+$0x4100] =	vst v28  }
0xb5: {  	v28 =	vor.u32 v3, v21;
	[tilespmem:s8+$0x80] =	vst v29;
	v25 =	vld.idx.msk [tilespmem:v35+s5+$0x0], $0xffff  }
0xb6: {  	v29 =	vor.u32 v4, v20;
	v30 =	vld.idx.msk [tilespmem:v30+s5+$0x0], $0xffff;
	[tilespmem:s31+$0x4100] =	vst v33  }
0xb7: {  	v33 =	vor.u32 v10, v17;
	[tilespmem:s30+$0x4000] =	vst v31;
	v31 =	vld.idx.msk [tilespmem:v38+s5+$0x0], $0xffff  }
0xb8: {  	v35 =	vor.u32 v3, v23;
	[tilespmem:s3+$0x100] =	vst v36;
	v26 =	vld.idx.msk [tilespmem:v26+s5+$0x0], $0xffff  }
0xb9: {  	v36 =	vld.idx.msk [tilespmem:v37+s5+$0x0], $0xffff;
	[tilespmem:s0+$0x100] =	vst v34;
	v34 =	vor.u32 v12, v19  }
0xba: {  	[tilespmem:s2+$0x180] =	vst v32;
	v28 =	vld.idx.msk [tilespmem:v28+s5+$0x0], $0xffff;
	v32 =	vor.u32 v10, v18  }
0xbb: {  	v37 =	vor.u32 v4, v22;
	v29 =	vld.idx.msk [tilespmem:v29+s5+$0x0], $0xffff;
	[tilespmem:s29+$0x4080] =	vst v27  }
0xbc: {  	v27 =	vor.u32 v4, v21;
	[tilespmem:s8+$0x100] =	vst v30;
	v30 =	vld.idx.msk [tilespmem:v33+s5+$0x0], $0xffff  }
0xbd: {  	v33 =	vor.u32 v5, v20;
	v35 =	vld.idx.msk [tilespmem:v35+s5+$0x0], $0xffff;
	[tilespmem:s31+$0x4180] =	vst v31  }
0xbe: {  	v31 =	vor.u32 v11, v17;
	[tilespmem:s30+$0x4080] =	vst v26;
	v26 =	vld.idx.msk [tilespmem:v34+s5+$0x0], $0xffff  }
0xbf: {  	v34 =	vor.u32 v4, v23;
	[tilespmem:s3+$0x180] =	vst v36;
	v32 =	vld.idx.msk [tilespmem:v32+s5+$0x0], $0xffff  }
0xc0: {  	v36 =	vld.idx.msk [tilespmem:v37+s5+$0x0], $0xffff;
	[tilespmem:s0+$0x180] =	vst v28;
	v28 =	vor.u32 v13, v19  }
0xc1: {  	[tilespmem:s2+$0x200] =	vst v29;
	v27 =	vld.idx.msk [tilespmem:v27+s5+$0x0], $0xffff;
	v29 =	vor.u32 v11, v18  }
0xc2: {  	v37 =	vor.u32 v5, v22;
	v33 =	vld.idx.msk [tilespmem:v33+s5+$0x0], $0xffff;
	[tilespmem:s29+$0x4100] =	vst v30  }
0xc3: {  	v30 =	vor.u32 v5, v21;
	[tilespmem:s8+$0x180] =	vst v35;
	v31 =	vld.idx.msk [tilespmem:v31+s5+$0x0], $0xffff  }
0xc4: {  	v35 =	vor.u32 v6, v20;
	v34 =	vld.idx.msk [tilespmem:v34+s5+$0x0], $0xffff;
	[tilespmem:s31+$0x4200] =	vst v26  }
0xc5: {  	v39 =	vor.u32 v12, v17;
	[tilespmem:s30+$0x4100] =	vst v32;
	v38 =	vld.idx.msk [tilespmem:v28+s5+$0x0], $0xffff  }
0xc6: {  	[tilespmem:s3+$0x200] =	vst v36;
	v36 =	vor.u32 v5, v23;
	v40 =	vld.idx.msk [tilespmem:v29+s5+$0x0], $0xffff  }
0xc7: {  	v26 =	vld.idx.msk [tilespmem:v37+s5+$0x0], $0xffff;
	[tilespmem:s0+$0x200] =	vst v27;
	v27 =	vor.u32 v14, v19  }
.Ltmp0:
0xc8: {  	[tilespmem:s2+$0x280] =	vst v33;
	v33 =	vld.idx.msk [tilespmem:v30+s5+$0x0], $0xffff;
	v30 =	vor.u32 v12, v18;
	(pc) =	sbr.rel @p0 .LBB2_3-.Ltmp0, $4  }
0xc9: {  	v28 =	vor.u32 v12, v16;
	v32 =	vld.idx.msk [tilespmem:v35+s5+$0x0], $0xffff;
	[tilespmem:s29+$0x4180] =	vst v31  }
0xca: {  	v35 =	vor.u32 v6, v21;
	[tilespmem:s8+$0x200] =	vst v34;
	v29 =	vld.idx.msk [tilespmem:v39+s5+$0x0], $0xffff  }
0xcb: {  	v34 =	vld.idx.msk [tilespmem:v36+s5+$0x0], $0xffff;
	[tilespmem:s31+$0x4280] =	vst v38  }
0xcc: {  	[tilespmem:s30+$0x4180] =	vst v40;
	v31 =	vld.idx.msk [tilespmem:v27+s5+$0x0], $0xffff;
	v27 =	vor.u32 v13, v17  }
0xcd: {  	_ =	sdelay $0x1  }
0xce: {  	v36 =	vor.u32 v6, v22  }
0xcf: {  	[tilespmem:s8+$0x280] =	vst v34  }
0xd0: {  	[tilespmem:s0+$0x280] =	vst v33;
	v24 =	vld.idx.msk [tilespmem:v24+s5+$0x0], $0xffff  }
0xd1: {  	v41 =	vor.u32 v7, v23;
	v33 =	vld.idx.msk [tilespmem:v35+s5+$0x0], $0xffff  }
0xd2: {  	v42 =	vor.u32 v7, v21;
	[tilespmem:s3+$0x280] =	vst v26  }
0xd3: {  	v26 =	vor.u32 v7, v20;
	v36 =	vld.idx.msk [tilespmem:v36+s5+$0x0], $0xffff  }
0xd4: {  	v37 =	vor.u32 v7, v22  }
0xd5: {  	[tilespmem:s8+$0x300] =	vst v24  }
0xd6: {  	[tilespmem:s0+$0x300] =	vst v33;
	v24 =	vld.idx.msk [tilespmem:v41+s5+$0x0], $0xffff  }
0xd7: {  	v43 =	vor.u32 v8, v23;
	[tilespmem:s2+$0x300] =	vst v32;
	v33 =	vld.idx.msk [tilespmem:v42+s5+$0x0], $0xffff  }
0xd8: {  	v44 =	vor.u32 v8, v21;
	v26 =	vld.idx.msk [tilespmem:v26+s5+$0x0], $0xffff;
	[tilespmem:s3+$0x300] =	vst v36  }
0xd9: {  	v45 =	vor.u32 v8, v20;
	v36 =	vld.idx.msk [tilespmem:v37+s5+$0x0], $0xffff  }
0xda: {  	v46 =	vor.u32 v8, v22  }
0xdb: {  	[tilespmem:s8+$0x380] =	vst v24  }
0xdc: {  	[tilespmem:s0+$0x380] =	vst v33;
	v24 =	vld.idx.msk [tilespmem:v43+s5+$0x0], $0xffff  }
0xdd: {  	[tilespmem:s2+$0x380] =	vst v26;
	v26 =	vor.u32 v9, v23;
	v47 =	vld.idx.msk [tilespmem:v44+s5+$0x0], $0xffff  }
0xde: {  	v49 =	vor.u32 v9, v21;
	v48 =	vld.idx.msk [tilespmem:v45+s5+$0x0], $0xffff;
	[tilespmem:s3+$0x380] =	vst v36  }
0xdf: {  	v50 =	vor.u32 v9, v20;
	v36 =	vld.idx.msk [tilespmem:v46+s5+$0x0], $0xffff  }
0xe0: {  	[tilespmem:s28+$0x4180] =	vst v25;
	v25 =	vor.u32 v9, v22  }
0xe1: {  	[tilespmem:s8+$0x4000] =	vst v24  }
0xe2: {  	[tilespmem:s0+$0x4000] =	vst v47;
	v24 =	vld.idx.msk [tilespmem:v26+s5+$0x0], $0xffff  }
0xe3: {  	[tilespmem:s2+$0x4000] =	vst v48;
	v32 =	vld.idx.msk [tilespmem:v49+s5+$0x0], $0xffff;
	v26 =	vor.u32 v10, v23  }
0xe4: {  	v51 =	vor.u32 v10, v21;
	v33 =	vld.idx.msk [tilespmem:v50+s5+$0x0], $0xffff;
	[tilespmem:s3+$0x4000] =	vst v36  }
0xe5: {  	[tilespmem:s29+$0x4200] =	vst v29;
	v29 =	vor.u32 v10, v20;
	v25 =	vld.idx.msk [tilespmem:v25+s5+$0x0], $0xffff  }
0xe6: {  	v30 =	vld.idx.msk [tilespmem:v30+s5+$0x0], $0xffff;
	[tilespmem:s31+$0x4300] =	vst v31;
	v31 =	vor.u32 v10, v22  }
0xe7: {  	v28 =	vld.idx.msk [tilespmem:v28+s5+$0x0], $0xffff;
	[tilespmem:s8+$0x4080] =	vst v24  }
0xe8: {  	[tilespmem:s0+$0x4080] =	vst v32;
	v24 =	vor.u32 v13, v16;
	v26 =	vld.idx.msk [tilespmem:v26+s5+$0x0], $0xffff  }
0xe9: {  	v52 =	vor.u32 v11, v23;
	[tilespmem:s2+$0x4080] =	vst v33;
	v53 =	vld.idx.msk [tilespmem:v51+s5+$0x0], $0xffff  }
0xea: {  	v29 =	vld.idx.msk [tilespmem:v29+s5+$0x0], $0xffff;
	[tilespmem:s3+$0x4080] =	vst v25;
	v25 =	vor.u32 v11, v21  }
0xeb: {  	[tilespmem:s30+$0x4200] =	vst v30;
	v30 =	vor.u32 v11, v20;
	v31 =	vld.idx.msk [tilespmem:v31+s5+$0x0], $0xffff  }
0xec: {  	v27 =	vld.idx.msk [tilespmem:v27+s5+$0x0], $0xffff;
	[tilespmem:s28+$0x4200] =	vst v28;
	v28 =	vor.u32 v11, v22  }
0xed: {  	v19 =	vor.u32 v15, v19;
	v24 =	vld.idx.msk [tilespmem:v24+s5+$0x0], $0xffff;
	[tilespmem:s8+$0x4100] =	vst v26  }
0xee: {  	[tilespmem:s0+$0x4100] =	vst v53;
	v26 =	vor.u32 v14, v17;
	v32 =	vld.idx.msk [tilespmem:v52+s5+$0x0], $0xffff  }
0xef: {  	[tilespmem:s2+$0x4100] =	vst v29;
	v29 =	vor.u32 v12, v23;
	v25 =	vld.idx.msk [tilespmem:v25+s5+$0x0], $0xffff  }
0xf0: {  	v30 =	vld.idx.msk [tilespmem:v30+s5+$0x0], $0xffff;
	[tilespmem:s3+$0x4100] =	vst v31;
	v31 =	vor.u32 v12, v21  }
0xf1: {  	[tilespmem:s29+$0x4280] =	vst v27;
	v27 =	vld.idx.msk [tilespmem:v28+s5+$0x0], $0xffff;
	v28 =	vor.u32 v12, v20  }
0xf2: {  	v19 =	vld.idx.msk [tilespmem:v19+s5+$0x0], $0xffff;
	[tilespmem:s28+$0x4280] =	vst v24;
	v24 =	vor.u32 v12, v22  }
0xf3: {  	v54 =	vor.u32 v13, v18;
	v26 =	vld.idx.msk [tilespmem:v26+s5+$0x0], $0xffff;
	[tilespmem:s8+$0x4180] =	vst v32  }
0xf4: {  	v56 =	vor.u32 v14, v16;
	[tilespmem:s0+$0x4180] =	vst v25;
	v29 =	vld.idx.msk [tilespmem:v29+s5+$0x0], $0xffff  }
0xf5: {  	[tilespmem:s2+$0x4180] =	vst v30;
	v25 =	vor.u32 v13, v23;
	v31 =	vld.idx.msk [tilespmem:v31+s5+$0x0], $0xffff  }
0xf6: {  	[tilespmem:s3+$0x4180] =	vst v27;
	v27 =	vor.u32 v13, v21;
	v28 =	vld.idx.msk [tilespmem:v28+s5+$0x0], $0xffff  }
0xf7: {  	[tilespmem:s31+$0x4380] =	vst v19;
	v30 =	vor.u32 v13, v20;
	v24 =	vld.idx.msk [tilespmem:v24+s5+$0x0], $0xffff  }
0xf8: {  	v55 =	vld.idx.msk [tilespmem:v54+s5+$0x0], $0xffff;
	[tilespmem:s29+$0x4300] =	vst v26;
	v26 =	vor.u32 v13, v22  }
0xf9: {  	v17 =	vor.u32 v15, v17;
	v32 =	vld.idx.msk [tilespmem:v56+s5+$0x0], $0xffff;
	[tilespmem:s8+$0x4200] =	vst v29  }
0xfa: {  	v57 =	vor.u32 v14, v18;
	[tilespmem:s0+$0x4200] =	vst v31;
	v25 =	vld.idx.msk [tilespmem:v25+s5+$0x0], $0xffff  }
0xfb: {  	v29 =	vor.u32 v14, v23;
	v27 =	vld.idx.msk [tilespmem:v27+s5+$0x0], $0xffff;
	[tilespmem:s2+$0x4200] =	vst v28  }
0xfc: {  	v28 =	vld.idx.msk [tilespmem:v30+s5+$0x0], $0xffff;
	[tilespmem:s3+$0x4200] =	vst v24;
	v24 =	vor.u32 v14, v21  }
0xfd: {  	[tilespmem:s30+$0x4280] =	vst v55;
	v19 =	vld.idx.msk [tilespmem:v26+s5+$0x0], $0xffff;
	v26 =	vor.u32 v14, v20  }
0xfe: {  	[tilespmem:s28+$0x4300] =	vst v32;
	v31 =	vor.u32 v14, v22;
	v17 =	vld.idx.msk [tilespmem:v17+s5+$0x0], $0xffff  }
0xff: {  	v16 =	vor.u32 v15, v16;
	v30 =	vld.idx.msk [tilespmem:v57+s5+$0x0], $0xffff;
	[tilespmem:s8+$0x4280] =	vst v25  }
0x100: {  	v18 =	vor.u32 v15, v18;
	[tilespmem:s0+$0x4280] =	vst v27;
	v25 =	vld.idx.msk [tilespmem:v29+s5+$0x0], $0xffff  }
0x101: {  	v23 =	vor.u32 v15, v23;
	[tilespmem:s2+$0x4280] =	vst v28;
	v24 =	vld.idx.msk [tilespmem:v24+s5+$0x0], $0xffff  }
0x102: {  	v26 =	vld.idx.msk [tilespmem:v26+s5+$0x0], $0xffff;
	[tilespmem:s3+$0x4280] =	vst v19;
	v19 =	vor.u32 v15, v21  }
0x103: {  	v20 =	vor.u32 v15, v20;
	[tilespmem:s29+$0x4380] =	vst v17;
	v21 =	vld.idx.msk [tilespmem:v31+s5+$0x0], $0xffff  }
0x104: {  	v16 =	vld.idx.msk [tilespmem:v16+s5+$0x0], $0xffff;
	v17 =	vor.u32 v15, v22;
	[tilespmem:s30+$0x4300] =	vst v30  }
0x105: {  	v18 =	vld.idx.msk [tilespmem:v18+s5+$0x0], $0xffff;
	[tilespmem:s8+$0x4300] =	vst v25  }
0x106: {  	[tilespmem:s0+$0x4300] =	vst v24;
	v22 =	vld.idx.msk [tilespmem:v23+s5+$0x0], $0xffff  }
0x107: {  	v19 =	vld.idx.msk [tilespmem:v19+s5+$0x0], $0xffff;
	[tilespmem:s2+$0x4300] =	vst v26  }
0x108: {  	v20 =	vld.idx.msk [tilespmem:v20+s5+$0x0], $0xffff;
	[tilespmem:s3+$0x4300] =	vst v21  }
0x109: {  	[tilespmem:s28+$0x4380] =	vst v16;
	v16 =	vld.idx.msk [tilespmem:v17+s5+$0x0], $0xffff  }
0x10a: {  	p0 =	seq.s32 s25, $0x18;
	[tilespmem:s30+$0x4380] =	vst v18  }
0x10b: {  	s7 =	sadd.s32 @!p0 s26, s9;
	[tilespmem:s8+$0x4380] =	vst v22  }
0x10c: {  	[tilespmem:s0+$0x4380] =	vst v19;
	s0 =	sshll.u32 @!p0 s7, $0x8  }
0x10d: {  	s14 =	sshll.u32 s15, $0xC;
	[tilespmem:s2+$0x4380] =	vst v20;
	s0 =	sand.u32 @!p0 $0xFFFFE00, s0  }
0x10e: {  	s2 =	simm.s32 @!p0 $0x0;
	[tilespmem:s3+$0x4380] =	vst v16;
	s0 =	sadd.s32 @!p0 s1, s0;
	s3 =	simm.s32 @!p0 $0x3200  }
0x10f: {  	[tilespmem:s3], [sflag:$0x1] =	stream.linear.gather @!p0 [hbm4b:s0+s2], $0x800, $0x38;
	[tilespmem:$0x14200] =	vst v63  }
0x110: {  	s0 =	sand.u32 $0x7FFF8000, s14  }
0x111: {  	s0 =	sor.u32 s12, s0  }
0x112: {  	s15 =	sadd.s32 s4, s0  }
0x113: {  	[hbm4b:s15+s5] =	stream.linear.scatter [tilespmem:s17], [sflag:$0x3], $0x4000, $0x38;
	[tilespmem:$0x14200] =	vst v63  }
0x114: {  	s0 =	sadd.s32 s0, s10  }
0x115: {  	[hbm4b:s0+s5] =	stream.linear.scatter [tilespmem:s18], [sflag:$0x3], $0x4000, $0x38;
	[tilespmem:$0x14200] =	vst v63  }
0x116: {  	s0 =	simm.s32 @!p1 $0x4  }
0x117: {  	_ =	swait.ge @!p1 [sflag:s0], $0x4000  }
0x118: {  	[sflag:s0] =	ssyncset.done @!p1 $0x0  }
0x119: {  	[sflag:s0] =	ssyncadd.s32 @!p1 $0xFFFFC000  }
0x11a: {  	_ =	swait.ge @!p1 [sflag:s0], $0x4000  }
0x11b: {  	[sflag:s0] =	ssyncset.done @!p1 $0x0  }
0x11c: {  	[sflag:s0] =	ssyncadd.s32 @!p1 $0xFFFFC000  }
0x11d: {  	_ =	swait.ge [sflag:s19], $0x800  }
0x11e: {  	[sflag:s19] =	ssyncset.done $0x0  }
0x11f: {  	s22 =	simm.s32 $0x3A30;
	[sflag:s19] =	ssyncadd.s32 $0xFFFFF800  }
0x120: {  	v16 =	vld [tilespmem:s22+$0xFFFFFFD0];
	_ =	sdelay $0x2  }
0x121: {  	v17 =	vld [tilespmem:s22+$0xFFFFFFF0];
	_ =	sdelay $0x1  }
0x122: {  	v18 =	vld [tilespmem:s22+$0x0];
	v16 =	vshll.u32 v16, $0x8  }
0x123: {  	v20 =	vor.u32 v0, v16;
	_ =	sdelay $0x1  }
0x124: {  	v19 =	vshll.u32 v17, $0x8  }
0x125: {  	v21 =	vor.u32 v0, v19  }
0x126: {  	v17 =	vshll.u32 v18, $0x8  }
0x127: {  	v18 =	vor.u32 v0, v17;
	v20 =	vld.idx.msk [tilespmem:v20+s5+$0x0], $0xffff  }
0x128: {  	s23 =	simm.s32 $0x0;
	v22 =	vor.u32 v1, v16  }
0x129: {  	s7 =	simm.s32 $0x0;
	s3 =	sand.u32 $0x3C00, s23;
	v23 =	vld [tilespmem:s22+$0xFFFFFFE0]  }
0x12a: {  	s2 =	sand.u32 $0x40, s7;
	s0 =	sor.u32 $0xC200, s3;
	v21 =	vld.idx.msk [tilespmem:v21+s5+$0x0], $0xffff  }
0x12b: {  	s28 =	sor.u32 s2, s0;
	v24 =	vor.u32 v1, v19  }
0x12c: {  	s8 =	simm.s32 $0x20;
	v25 =	vld.idx.msk [tilespmem:v18+s5+$0x0], $0xffff;
	[tilespmem:s28+$0x0] =	vst v20  }
0x12d: {  	s2 =	sand.u32 $0x60, s8;
	v20 =	vor.u32 v1, v17;
	v22 =	vld.idx.msk [tilespmem:v22+s5+$0x0], $0xffff  }
0x12e: {  	s12 =	simm.s32 $0x30;
	s31 =	sor.u32 s2, s0;
	v26 =	vor.u32 v2, v16  }
0x12f: {  	s13 =	sand.u32 $0x70, s12;
	v18 =	vshll.u32 v23, $0x8;
	[tilespmem:s31+$0x0] =	vst v21  }
0x130: {  	s29 =	sor.u32 s13, s0;
	v21 =	vor.u32 v0, v18;
	v23 =	vld.idx.msk [tilespmem:v24+s5+$0x0], $0xffff  }
0x131: {  	[tilespmem:s29+$0x0] =	vst v25;
	v24 =	vor.u32 v2, v19  }
0x132: {  	v20 =	vld.idx.msk [tilespmem:v20+s5+$0x0], $0xffff;
	[tilespmem:s28+$0x80] =	vst v22  }
0x133: {  	v22 =	vor.u32 v2, v17;
	v25 =	vld.idx.msk [tilespmem:v26+s5+$0x0], $0xffff  }
0x134: {  	v26 =	vor.u32 v3, v16  }
0x135: {  	v21 =	vld.idx.msk [tilespmem:v21+s5+$0x0], $0xffff;
	[tilespmem:s31+$0x80] =	vst v23  }
0x136: {  	v23 =	vor.u32 v1, v18;
	v24 =	vld.idx.msk [tilespmem:v24+s5+$0x0], $0xffff  }
0x137: {  	s14 =	simm.s32 $0x10;
	[tilespmem:s29+$0x80] =	vst v20;
	v20 =	vor.u32 v3, v19  }
0x138: {  	s2 =	sand.u32 $0x50, s14;
	v22 =	vld.idx.msk [tilespmem:v22+s5+$0x0], $0xffff;
	[tilespmem:s28+$0x100] =	vst v25  }
0x139: {  	s30 =	sor.u32 s2, s0;
	v25 =	vld.idx.msk [tilespmem:v26+s5+$0x0], $0xffff;
	v26 =	vor.u32 v3, v17  }
0x13a: {  	[tilespmem:s30+$0x0] =	vst v21;
	v21 =	vor.u32 v4, v16  }
0x13b: {  	v23 =	vld.idx.msk [tilespmem:v23+s5+$0x0], $0xffff;
	[tilespmem:s31+$0x100] =	vst v24  }
0x13c: {  	v24 =	vor.u32 v2, v18;
	v20 =	vld.idx.msk [tilespmem:v20+s5+$0x0], $0xffff  }
0x13d: {  	[tilespmem:s29+$0x100] =	vst v22;
	v22 =	vor.u32 v4, v19  }
0x13e: {  	[tilespmem:s28+$0x180] =	vst v25;
	v25 =	vld.idx.msk [tilespmem:v26+s5+$0x0], $0xffff  }
0x13f: {  	v26 =	vor.u32 v4, v17;
	v21 =	vld.idx.msk [tilespmem:v21+s5+$0x0], $0xffff  }
0x140: {  	[tilespmem:s30+$0x80] =	vst v23  }
0x141: {  	v23 =	vor.u32 v5, v16;
	v24 =	vld.idx.msk [tilespmem:v24+s5+$0x0], $0xffff;
	[tilespmem:s31+$0x180] =	vst v20  }
0x142: {  	v20 =	vor.u32 v3, v18;
	v22 =	vld.idx.msk [tilespmem:v22+s5+$0x0], $0xffff  }
0x143: {  	[tilespmem:s29+$0x180] =	vst v25;
	v25 =	vor.u32 v5, v19  }
0x144: {  	[tilespmem:s28+$0x200] =	vst v21;
	v21 =	vld.idx.msk [tilespmem:v26+s5+$0x0], $0xffff  }
0x145: {  	v26 =	vor.u32 v5, v17  }
0x146: {  	[tilespmem:s30+$0x100] =	vst v24;
	v23 =	vld.idx.msk [tilespmem:v23+s5+$0x0], $0xffff  }
0x147: {  	v24 =	vor.u32 v6, v16;
	v20 =	vld.idx.msk [tilespmem:v20+s5+$0x0], $0xffff;
	[tilespmem:s31+$0x200] =	vst v22  }
0x148: {  	v25 =	vld.idx.msk [tilespmem:v25+s5+$0x0], $0xffff  }
0x149: {  	v27 =	vor.u32 v6, v19;
	[tilespmem:s29+$0x200] =	vst v21  }
0x14a: {  	v21 =	vld.idx.msk [tilespmem:v26+s5+$0x0], $0xffff  }
0x14b: {  	v22 =	vor.u32 v4, v18;
	[tilespmem:s28+$0x280] =	vst v23  }
0x14c: {  	s14 =	simm.s32 $0x3A70;
	[tilespmem:s30+$0x180] =	vst v20;
	v23 =	vld.idx.msk [tilespmem:v24+s5+$0x0], $0xffff;
	v24 =	vor.u32 v6, v17  }
0x14d: {  	v28 =	vld [tilespmem:s14+$0x0];
	v20 =	vor.u32 v7, v16;
	[tilespmem:s31+$0x280] =	vst v25  }
0x14e: {  	v25 =	vld.idx.msk [tilespmem:v27+s5+$0x0], $0xffff  }
0x14f: {  	[tilespmem:s29+$0x280] =	vst v21;
	v21 =	vld [tilespmem:s14+$0xFFFFFFD0]  }
0x150: {  	v22 =	vld.idx.msk [tilespmem:v22+s5+$0x0], $0xffff  }
0x151: {  	[tilespmem:s28+$0x300] =	vst v23;
	v23 =	vld.idx.msk [tilespmem:v24+s5+$0x0], $0xffff;
	v24 =	vor.u32 v7, v19  }
0x152: {  	v26 =	vor.u32 v5, v18;
	v27 =	vld.idx.msk [tilespmem:v20+s5+$0x0], $0xffff  }
0x153: {  	v29 =	vld [tilespmem:s14+$0xFFFFFFF0];
	v30 =	vor.u32 v8, v16  }
0x154: {  	[tilespmem:s31+$0x300] =	vst v25;
	v25 =	vor.u32 v7, v17;
	v20 =	vshll.u32 v21, $0x8  }
0x155: {  	v31 =	vld [tilespmem:s14+$0xFFFFFFE0];
	v21 =	vshll.u32 v28, $0x8;
	v58 =	vor.u32 v0, v20  }
0x156: {  	[tilespmem:s30+$0x200] =	vst v22;
	v24 =	vld.idx.msk [tilespmem:v24+s5+$0x0], $0xffff;
	v28 =	vor.u32 v0, v21  }
0x157: {  	v59 =	vor.u32 v8, v19;
	v26 =	vld.idx.msk [tilespmem:v26+s5+$0x0], $0xffff;
	[tilespmem:s28+$0x380] =	vst v27  }
0x158: {  	[tilespmem:s29+$0x300] =	vst v23;
	v23 =	vshll.u32 v29, $0x8;
	v27 =	vor.u32 v6, v18;
	v30 =	vld.idx.msk [tilespmem:v30+s5+$0x0], $0xffff  }
0x159: {  	v29 =	vor.u32 v0, v23;
	v25 =	vld.idx.msk [tilespmem:v25+s5+$0x0], $0xffff  }
0x15a: {  	v61 =	vor.u32 v9, v16;
	v22 =	vshll.u32 v31, $0x8;
	v31 =	vld.idx.msk [tilespmem:v58+s5+$0x0], $0xffff  }
0x15b: {  	v63 =	vor.u32 v8, v17;
	[tilespmem:s31+$0x380] =	vst v24;
	v28 =	vld.idx.msk [tilespmem:v28+s5+$0x0], $0xffff  }
0x15c: {  	s7 =	simm.s32 $0x200;
	[tilespmem:s30+$0x280] =	vst v26;
	v24 =	vor.u32 v0, v22;
	v60 =	vld.idx.msk [tilespmem:v59+s5+$0x0], $0xffff  }
0x15d: {  	s15 =	sand.u32 $0x3C00, s7;
	s22 =	simm.s32 $0x40;
	v26 =	vor.u32 v1, v20;
	v27 =	vld.idx.msk [tilespmem:v27+s5+$0x0], $0xffff  }
0x15e: {  	s23 =	sor.u32 $0xC200, s15;
	s13 =	simm.s32 $0x70;
	s2 =	sand.u32 $0x40, s22;
	v40 =	vor.u32 v1, v21;
	v29 =	vld.idx.msk [tilespmem:v29+s5+$0x0], $0xffff;
	[tilespmem:s28+$0x4000] =	vst v30  }
0x15f: {  	s3 =	sand.u32 $0x70, s13;
	s2 =	sor.u32 s2, s23;
	v62 =	vor.u32 v9, v19;
	v41 =	vld.idx.msk [tilespmem:v61+s5+$0x0], $0xffff;
	[tilespmem:s29+$0x380] =	vst v25  }
0x160: {  	s0 =	sor.u32 s3, s23;
	v44 =	vor.u32 v1, v23;
	v43 =	vld.idx.msk [tilespmem:v63+s5+$0x0], $0xffff;
	[tilespmem:s2+$0x0] =	vst v31  }
0x161: {  	s12 =	simm.s32 $0x50;
	s15 =	simm.s32 $0x60;
	v30 =	vor.u32 v7, v18;
	v24 =	vld.idx.msk [tilespmem:v24+s5+$0x0], $0xffff;
	[tilespmem:s0+$0x0] =	vst v28  }
0x162: {  	s3 =	sand.u32 $0x50, s12;
	s12 =	sand.u32 $0x60, s15;
	v28 =	vor.u32 v10, v16;
	v26 =	vld.idx.msk [tilespmem:v26+s5+$0x0], $0xffff;
	[tilespmem:s31+$0x4000] =	vst v60  }
0x163: {  	s15 =	sor.u32 s12, s23;
	v31 =	vor.u32 v1, v22;
	v36 =	vld.idx.msk [tilespmem:v40+s5+$0x0], $0xffff;
	[tilespmem:s30+$0x300] =	vst v27  }
0x164: {  	v46 =	vor.u32 v9, v17;
	[tilespmem:s15+$0x0] =	vst v29;
	v42 =	vld.idx.msk [tilespmem:v62+s5+$0x0], $0xffff  }
0x165: {  	s3 =	sor.u32 s3, s23;
	v25 =	vor.u32 v2, v20;
	v29 =	vld.idx.msk [tilespmem:v44+s5+$0x0], $0xffff;
	[tilespmem:s28+$0x4080] =	vst v41  }
0x166: {  	v27 =	vor.u32 v10, v19;
	[tilespmem:s3+$0x0] =	vst v24;
	v24 =	vld.idx.msk [tilespmem:v30+s5+$0x0], $0xffff  }
0x167: {  	[tilespmem:s29+$0x4000] =	vst v43;
	v30 =	vor.u32 v2, v21;
	v28 =	vld.idx.msk [tilespmem:v28+s5+$0x0], $0xffff  }
0x168: {  	[tilespmem:s2+$0x80] =	vst v26;
	v26 =	vld.idx.msk [tilespmem:v31+s5+$0x0], $0xffff;
	v31 =	vor.u32 v8, v18  }
0x169: {  	v45 =	vor.u32 v2, v22;
	v33 =	vld.idx.msk [tilespmem:v46+s5+$0x0], $0xffff;
	[tilespmem:s0+$0x80] =	vst v36  }
0x16a: {  	v48 =	vor.u32 v11, v16;
	v25 =	vld.idx.msk [tilespmem:v25+s5+$0x0], $0xffff;
	[tilespmem:s31+$0x4080] =	vst v42  }
0x16b: {  	v47 =	vor.u32 v3, v20;
	[tilespmem:s15+$0x80] =	vst v29;
	v27 =	vld.idx.msk [tilespmem:v27+s5+$0x0], $0xffff  }
0x16c: {  	v30 =	vld.idx.msk [tilespmem:v30+s5+$0x0], $0xffff;
	[tilespmem:s30+$0x380] =	vst v24;
	v24 =	vor.u32 v2, v23  }
0x16d: {  	v49 =	vor.u32 v11, v19;
	[tilespmem:s3+$0x80] =	vst v26;
	v26 =	vld.idx.msk [tilespmem:v31+s5+$0x0], $0xffff  }
0x16e: {  	[tilespmem:s28+$0x4100] =	vst v28;
	v28 =	vor.u32 v3, v21;
	v31 =	vld.idx.msk [tilespmem:v45+s5+$0x0], $0xffff  }
0x16f: {  	v50 =	vor.u32 v9, v18;
	[tilespmem:s2+$0x100] =	vst v25;
	v25 =	vld.idx.msk [tilespmem:v48+s5+$0x0], $0xffff  }
0x170: {  	v51 =	vor.u32 v3, v22;
	v35 =	vld.idx.msk [tilespmem:v47+s5+$0x0], $0xffff;
	[tilespmem:s31+$0x4100] =	vst v27  }
0x171: {  	v27 =	vor.u32 v10, v17;
	v24 =	vld.idx.msk [tilespmem:v24+s5+$0x0], $0xffff;
	[tilespmem:s0+$0x100] =	vst v30  }
0x172: {  	v29 =	vor.u32 v4, v20;
	[tilespmem:s30+$0x4000] =	vst v26;
	v26 =	vld.idx.msk [tilespmem:v49+s5+$0x0], $0xffff  }
0x173: {  	v28 =	vld.idx.msk [tilespmem:v28+s5+$0x0], $0xffff;
	[tilespmem:s3+$0x100] =	vst v31;
	v31 =	vor.u32 v3, v23  }
0x174: {  	[tilespmem:s29+$0x4080] =	vst v33;
	v30 =	vor.u32 v12, v19;
	v52 =	vld.idx.msk [tilespmem:v50+s5+$0x0], $0xffff  }
0x175: {  	v54 =	vor.u32 v10, v18;
	v53 =	vld.idx.msk [tilespmem:v51+s5+$0x0], $0xffff;
	[tilespmem:s2+$0x180] =	vst v35  }
0x176: {  	v55 =	vor.u32 v4, v22;
	v27 =	vld.idx.msk [tilespmem:v27+s5+$0x0], $0xffff;
	[tilespmem:s15+$0x100] =	vst v24  }
0x177: {  	v29 =	vld.idx.msk [tilespmem:v29+s5+$0x0], $0xffff;
	v24 =	vor.u32 v4, v21;
	[tilespmem:s31+$0x4180] =	vst v26  }
0x178: {  	v56 =	vor.u32 v5, v20;
	[tilespmem:s0+$0x180] =	vst v28;
	v31 =	vld.idx.msk [tilespmem:v31+s5+$0x0], $0xffff  }
0x179: {  	[tilespmem:s30+$0x4080] =	vst v52;
	v26 =	vld.idx.msk [tilespmem:v30+s5+$0x0], $0xffff;
	v30 =	vor.u32 v11, v17  }
0x17a: {  	v28 =	vor.u32 v13, v19;
	[tilespmem:s3+$0x180] =	vst v53;
	v58 =	vld.idx.msk [tilespmem:v54+s5+$0x0], $0xffff  }
0x17b: {  	v57 =	vor.u32 v4, v23;
	[tilespmem:s29+$0x4100] =	vst v27;
	v59 =	vld.idx.msk [tilespmem:v55+s5+$0x0], $0xffff  }
0x17c: {  	[tilespmem:s2+$0x200] =	vst v29;
	v29 =	vor.u32 v11, v18;
	v24 =	vld.idx.msk [tilespmem:v24+s5+$0x0], $0xffff  }
0x17d: {  	v60 =	vor.u32 v5, v22;
	v33 =	vld.idx.msk [tilespmem:v56+s5+$0x0], $0xffff;
	[tilespmem:s15+$0x180] =	vst v31  }
0x17e: {  	v27 =	vor.u32 v5, v21;
	v30 =	vld.idx.msk [tilespmem:v30+s5+$0x0], $0xffff;
	[tilespmem:s31+$0x4200] =	vst v26  }
0x17f: {  	[tilespmem:s30+$0x4100] =	vst v58;
	v38 =	vld.idx.msk [tilespmem:v28+s5+$0x0], $0xffff;
	v28 =	vor.u32 v12, v17  }
0x180: {  	v31 =	vor.u32 v6, v20;
	v61 =	vld.idx.msk [tilespmem:v57+s5+$0x0], $0xffff;
	[tilespmem:s3+$0x200] =	vst v59  }
0x181: {  	v62 =	vor.u32 v5, v23;
	v39 =	vld.idx.msk [tilespmem:v29+s5+$0x0], $0xffff;
	[tilespmem:s0+$0x200] =	vst v24  }
0x182: {  	v63 =	vor.u32 v14, v19;
	v26 =	vld.idx.msk [tilespmem:v60+s5+$0x0], $0xffff;
	[tilespmem:s2+$0x280] =	vst v33  }
0x183: {  	v33 =	vld.idx.msk [tilespmem:v27+s5+$0x0], $0xffff;
	[tilespmem:s29+$0x4180] =	vst v30;
	v30 =	vor.u32 v12, v18  }
0x184: {  	s22 =	sadd.s32 s26, s6;
	v29 =	vld.idx.msk [tilespmem:v28+s5+$0x0], $0xffff;
	v28 =	vor.u32 v12, v16  }
0x185: {  	s8 =	sadd.s32 $0x1, s22;
	v35 =	vor.u32 v6, v21;
	v32 =	vld.idx.msk [tilespmem:v31+s5+$0x0], $0xffff;
	[tilespmem:s15+$0x200] =	vst v61  }
0x186: {  	s23 =	sshll.u32 s8, $0xB;
	[tilespmem:s31+$0x4280] =	vst v38;
	v34 =	vld.idx.msk [tilespmem:v62+s5+$0x0], $0xffff  }
0x187: {  	s22 =	simm.s32 $0x4;
	s12 =	sand.u32 $0x3800, s23;
	v24 =	vor.u32 v6, v23;
	v27 =	vor.u32 v13, v17;
	[tilespmem:s30+$0x4180] =	vst v39;
	v31 =	vld.idx.msk [tilespmem:v63+s5+$0x0], $0xffff  }
.LBB2_5:
0x188: {  	s22 =	sadd.s32 $0x4, s22;
	s14 =	sadd.s32 $0x40, s14;
	[tilespmem:s28+$0x4180] =	vst v25;
	v25 =	vld.idx.msk [tilespmem:v30+s5+$0x0], $0xffff  }
0x189: {  	v30 =	vor.u32 v7, v20;
	p1 =	slt.u32 s22, $0x7C;
	[tilespmem:s0+$0x280] =	vst v33;
	v28 =	vld.idx.msk [tilespmem:v28+s5+$0x0], $0xffff  }
0x18a: {  	[tilespmem:s2+$0x300] =	vst v32;
	v32 =	vld.idx.msk [tilespmem:v35+s5+$0x0], $0xffff  }
0x18b: {  	v36 =	vor.u32 v13, v18;
	v35 =	vor.u32 v13, v16;
	v33 =	vld [tilespmem:s14+$0xFFFFFFF0];
	[tilespmem:s29+$0x4200] =	vst v29  }
0x18c: {  	[tilespmem:s15+$0x280] =	vst v34;
	v27 =	vld.idx.msk [tilespmem:v27+s5+$0x0], $0xffff  }
0x18d: {  	v24 =	vld.idx.msk [tilespmem:v24+s5+$0x0], $0xffff;
	[tilespmem:s31+$0x4300] =	vst v31  }
0x18e: {  	v29 =	vld.idx.msk [tilespmem:v30+s5+$0x0], $0xffff;
	[tilespmem:s30+$0x4200] =	vst v25;
	v25 =	vor.u32 v14, v17  }
0x18f: {  	v31 =	vor.u32 v7, v23;
	v30 =	vld [tilespmem:s14+$0x0];
	[tilespmem:s28+$0x4200] =	vst v28  }
0x190: {  	[tilespmem:s0+$0x300] =	vst v32;
	v28 =	vld.idx.msk [tilespmem:v35+s5+$0x0], $0xffff;
	v32 =	vor.u32 v15, v19;
	v19 =	vmov v23  }
0x191: {  	v23 =	vld.idx.msk [tilespmem:v36+s5+$0x0], $0xffff  }
0x192: {  	v35 =	vor.u32 v14, v16;
	v36 =	vor.u32 v14, v18;
	v34 =	vld [tilespmem:s14+$0xFFFFFFD0];
	[tilespmem:s29+$0x4280] =	vst v27  }
0x193: {  	[tilespmem:s15+$0x300] =	vst v24;
	v24 =	vld.idx.msk [tilespmem:v25+s5+$0x0], $0xffff  }
0x194: {  	v25 =	vor.u32 v8, v20;
	[tilespmem:s2+$0x380] =	vst v29;
	v27 =	vld.idx.msk [tilespmem:v31+s5+$0x0], $0xffff  }
0x195: {  	v29 =	vor.u32 v7, v21;
	v31 =	vld.idx.msk [tilespmem:v32+s5+$0x0], $0xffff  }
0x196: {  	v37 =	vor.u32 v8, v19;
	v32 =	vld [tilespmem:s14+$0xFFFFFFE0];
	[tilespmem:s28+$0x4280] =	vst v28  }
0x197: {  	v28 =	vshll.u32 v34, $0x8;
	v34 =	vld.idx.msk [tilespmem:v35+s5+$0x0], $0xffff;
	[tilespmem:s30+$0x4280] =	vst v23;
	v35 =	vor.u32 v15, v17;
	v17 =	vmovc v21;
	v21 =	vshll.u32 v30, $0x8  }
0x198: {  	v38 =	vor.u32 v15, v16;
	v16 =	vmovc v20;
	v30 =	vor.u32 v0, v28;
	v36 =	vld.idx.msk [tilespmem:v36+s5+$0x0], $0xffff;
	v20 =	vmov v28  }
0x199: {  	v39 =	vor.u32 v15, v18;
	v18 =	vmov v22;
	v28 =	vor.u32 v0, v21;
	v25 =	vld.idx.msk [tilespmem:v25+s5+$0x0], $0xffff;
	[tilespmem:s29+$0x4300] =	vst v24  }
0x19a: {  	v23 =	vshll.u32 v33, $0x8;
	v33 =	vor.u32 v6, v18;
	[tilespmem:s15+$0x380] =	vst v27;
	v27 =	vld.idx.msk [tilespmem:v29+s5+$0x0], $0xffff  }
0x19b: {  	v24 =	vor.u32 v6, v23;
	v29 =	vor.u32 v0, v23;
	v22 =	vshll.u32 v32, $0x8;
	v32 =	vld.idx.msk [tilespmem:v37+s5+$0x0], $0xffff;
	[tilespmem:s31+$0x4380] =	vst v31;
	s31 =	smov.u32 s15  }
0x19c: {  	v31 =	vor.u32 v0, v22;
	[tilespmem:s3+$0x280] =	vst v26;
	v26 =	vld.idx.msk [tilespmem:v35+s5+$0x0], $0xffff  }
0x19d: {  	v30 =	vld.idx.msk [tilespmem:v30+s5+$0x0], $0xffff;
	[tilespmem:s28+$0x4300] =	vst v34  }
0x19e: {  	v34 =	vld.idx.msk [tilespmem:v38+s5+$0x0], $0xffff;
	[tilespmem:s30+$0x4300] =	vst v36  }
0x19f: {  	s13 =	sadd.s32 $0x40, s13;
	s7 =	sadd.s32 $0x200, s7;
	v35 =	vor.u32 v1, v20;
	v36 =	vld.idx.msk [tilespmem:v39+s5+$0x0], $0xffff  }
0x1a0: {  	s23 =	sadd.s32 $0xFFFFFFD0, s13;
	s15 =	sand.u32 $0x3C00, s7;
	v37 =	vor.u32 v1, v21;
	[tilespmem:s2+$0x4000] =	vst v25;
	v25 =	vor.u32 v9, v16;
	v33 =	vld.idx.msk [tilespmem:v33+s5+$0x0], $0xffff  }
0x1a1: {  	s23 =	sand.u32 $0x40, s23;
	s15 =	sor.u32 $0xC200, s15;
	v28 =	vld.idx.msk [tilespmem:v28+s5+$0x0], $0xffff;
	[tilespmem:s31+$0x4000] =	vst v32;
	v32 =	vor.u32 v9, v19  }
0x1a2: {  	s23 =	sor.u32 s23, s15;
	v38 =	vor.u32 v1, v23;
	v29 =	vld.idx.msk [tilespmem:v29+s5+$0x0], $0xffff;
	[tilespmem:s0+$0x380] =	vst v27;
	v27 =	vor.u32 v8, v17  }
0x1a3: {  	[tilespmem:s23+$0x0] =	vst v30;
	v30 =	vld.idx.msk [tilespmem:v31+s5+$0x0], $0xffff;
	v31 =	vor.u32 v1, v22  }
0x1a4: {  	v39 =	vor.u32 v7, v18;
	v35 =	vld.idx.msk [tilespmem:v35+s5+$0x0], $0xffff;
	[tilespmem:s29+$0x4380] =	vst v26;
	s29 =	smov.u32 s0  }
0x1a5: {  	s0 =	sand.u32 $0x70, s13;
	v25 =	vld.idx.msk [tilespmem:v25+s5+$0x0], $0xffff;
	[tilespmem:s28+$0x4380] =	vst v34;
	s28 =	smov.u32 s2;
	s2 =	smov.u32 s23  }
0x1a6: {  	v26 =	vor.u32 v2, v20;
	s23 =	sadd.s32 $0xFFFFFFE0, s13;
	s0 =	sor.u32 s0, s15;
	v32 =	vld.idx.msk [tilespmem:v32+s5+$0x0], $0xffff;
	[tilespmem:s30+$0x4380] =	vst v36;
	s30 =	smov.u32 s3  }
0x1a7: {  	s3 =	sand.u32 $0x50, s23;
	[tilespmem:s0+$0x0] =	vst v28;
	v28 =	vor.u32 v10, v16;
	v27 =	vld.idx.msk [tilespmem:v27+s5+$0x0], $0xffff  }
0x1a8: {  	s3 =	sor.u32 s3, s15;
	v34 =	vld.idx.msk [tilespmem:v37+s5+$0x0], $0xffff;
	[tilespmem:s30+$0x300] =	vst v33  }
0x1a9: {  	s23 =	sadd.s32 $0xFFFFFFF0, s13;
	v33 =	vor.u32 v10, v19;
	[tilespmem:s3+$0x0] =	vst v30;
	v30 =	vld.idx.msk [tilespmem:v39+s5+$0x0], $0xffff  }
0x1aa: {  	s23 =	sand.u32 $0x60, s23;
	[tilespmem:s2+$0x80] =	vst v35;
	v31 =	vld.idx.msk [tilespmem:v31+s5+$0x0], $0xffff;
	v35 =	vor.u32 v2, v21  }
0x1ab: {  	s15 =	sor.u32 s23, s15;
	v26 =	vld.idx.msk [tilespmem:v26+s5+$0x0], $0xffff;
	[tilespmem:s28+$0x4080] =	vst v25;
	v25 =	vor.u32 v8, v18  }
0x1ac: {  	v36 =	vor.u32 v2, v22;
	[tilespmem:s15+$0x0] =	vst v29;
	v28 =	vld.idx.msk [tilespmem:v28+s5+$0x0], $0xffff  }
0x1ad: {  	v29 =	vld.idx.msk [tilespmem:v38+s5+$0x0], $0xffff;
	[tilespmem:s31+$0x4080] =	vst v32;
	v32 =	vor.u32 v9, v17  }
0x1ae: {  	v37 =	vor.u32 v3, v20;
	[tilespmem:s0+$0x80] =	vst v34;
	v33 =	vld.idx.msk [tilespmem:v33+s5+$0x0], $0xffff  }
0x1af: {  	v34 =	vld.idx.msk [tilespmem:v35+s5+$0x0], $0xffff;
	v35 =	vor.u32 v11, v16;
	[tilespmem:s30+$0x380] =	vst v30  }
0x1b0: {  	v30 =	vor.u32 v2, v23;
	[tilespmem:s3+$0x80] =	vst v31;
	v31 =	vld.idx.msk [tilespmem:v25+s5+$0x0], $0xffff  }
0x1b1: {  	v38 =	vor.u32 v11, v19;
	v36 =	vld.idx.msk [tilespmem:v36+s5+$0x0], $0xffff;
	[tilespmem:s29+$0x4000] =	vst v27  }
0x1b2: {  	[tilespmem:s2+$0x100] =	vst v26;
	v26 =	vor.u32 v9, v18;
	v27 =	vld.idx.msk [tilespmem:v32+s5+$0x0], $0xffff  }
0x1b3: {  	v32 =	vld.idx.msk [tilespmem:v37+s5+$0x0], $0xffff;
	v37 =	vor.u32 v3, v22;
	[tilespmem:s28+$0x4100] =	vst v28  }
0x1b4: {  	v28 =	vor.u32 v3, v21;
	[tilespmem:s15+$0x80] =	vst v29;
	v25 =	vld.idx.msk [tilespmem:v35+s5+$0x0], $0xffff  }
0x1b5: {  	v29 =	vor.u32 v4, v20;
	v30 =	vld.idx.msk [tilespmem:v30+s5+$0x0], $0xffff;
	[tilespmem:s31+$0x4100] =	vst v33  }
0x1b6: {  	v33 =	vor.u32 v10, v17;
	[tilespmem:s30+$0x4000] =	vst v31;
	v31 =	vld.idx.msk [tilespmem:v38+s5+$0x0], $0xffff  }
0x1b7: {  	v35 =	vor.u32 v3, v23;
	[tilespmem:s3+$0x100] =	vst v36;
	v26 =	vld.idx.msk [tilespmem:v26+s5+$0x0], $0xffff  }
0x1b8: {  	v36 =	vld.idx.msk [tilespmem:v37+s5+$0x0], $0xffff;
	[tilespmem:s0+$0x100] =	vst v34;
	v34 =	vor.u32 v12, v19  }
0x1b9: {  	[tilespmem:s2+$0x180] =	vst v32;
	v28 =	vld.idx.msk [tilespmem:v28+s5+$0x0], $0xffff;
	v32 =	vor.u32 v10, v18  }
0x1ba: {  	v37 =	vor.u32 v4, v22;
	v29 =	vld.idx.msk [tilespmem:v29+s5+$0x0], $0xffff;
	[tilespmem:s29+$0x4080] =	vst v27  }
0x1bb: {  	v27 =	vor.u32 v4, v21;
	[tilespmem:s15+$0x100] =	vst v30;
	v30 =	vld.idx.msk [tilespmem:v33+s5+$0x0], $0xffff  }
0x1bc: {  	v33 =	vor.u32 v5, v20;
	v35 =	vld.idx.msk [tilespmem:v35+s5+$0x0], $0xffff;
	[tilespmem:s31+$0x4180] =	vst v31  }
0x1bd: {  	v31 =	vor.u32 v11, v17;
	[tilespmem:s30+$0x4080] =	vst v26;
	v26 =	vld.idx.msk [tilespmem:v34+s5+$0x0], $0xffff  }
0x1be: {  	v34 =	vor.u32 v4, v23;
	[tilespmem:s3+$0x180] =	vst v36;
	v32 =	vld.idx.msk [tilespmem:v32+s5+$0x0], $0xffff  }
0x1bf: {  	v36 =	vld.idx.msk [tilespmem:v37+s5+$0x0], $0xffff;
	[tilespmem:s0+$0x180] =	vst v28;
	v28 =	vor.u32 v13, v19  }
0x1c0: {  	[tilespmem:s2+$0x200] =	vst v29;
	v27 =	vld.idx.msk [tilespmem:v27+s5+$0x0], $0xffff;
	v29 =	vor.u32 v11, v18  }
0x1c1: {  	v37 =	vor.u32 v5, v22;
	v33 =	vld.idx.msk [tilespmem:v33+s5+$0x0], $0xffff;
	[tilespmem:s29+$0x4100] =	vst v30  }
0x1c2: {  	v30 =	vor.u32 v5, v21;
	[tilespmem:s15+$0x180] =	vst v35;
	v31 =	vld.idx.msk [tilespmem:v31+s5+$0x0], $0xffff  }
0x1c3: {  	v35 =	vor.u32 v6, v20;
	v34 =	vld.idx.msk [tilespmem:v34+s5+$0x0], $0xffff;
	[tilespmem:s31+$0x4200] =	vst v26  }
0x1c4: {  	v39 =	vor.u32 v12, v17;
	[tilespmem:s30+$0x4100] =	vst v32;
	v38 =	vld.idx.msk [tilespmem:v28+s5+$0x0], $0xffff  }
0x1c5: {  	[tilespmem:s3+$0x200] =	vst v36;
	v36 =	vor.u32 v5, v23;
	v40 =	vld.idx.msk [tilespmem:v29+s5+$0x0], $0xffff  }
0x1c6: {  	v26 =	vld.idx.msk [tilespmem:v37+s5+$0x0], $0xffff;
	[tilespmem:s0+$0x200] =	vst v27;
	v27 =	vor.u32 v14, v19  }
.Ltmp1:
0x1c7: {  	[tilespmem:s2+$0x280] =	vst v33;
	v33 =	vld.idx.msk [tilespmem:v30+s5+$0x0], $0xffff;
	v30 =	vor.u32 v12, v18;
	(pc) =	sbr.rel @p1 .LBB2_5-.Ltmp1, $4  }
0x1c8: {  	v28 =	vor.u32 v12, v16;
	v32 =	vld.idx.msk [tilespmem:v35+s5+$0x0], $0xffff;
	[tilespmem:s29+$0x4180] =	vst v31  }
0x1c9: {  	v35 =	vor.u32 v6, v21;
	[tilespmem:s15+$0x200] =	vst v34;
	v29 =	vld.idx.msk [tilespmem:v39+s5+$0x0], $0xffff  }
0x1ca: {  	v34 =	vld.idx.msk [tilespmem:v36+s5+$0x0], $0xffff;
	[tilespmem:s31+$0x4280] =	vst v38  }
0x1cb: {  	[tilespmem:s30+$0x4180] =	vst v40;
	v31 =	vld.idx.msk [tilespmem:v27+s5+$0x0], $0xffff;
	v27 =	vor.u32 v13, v17  }
0x1cc: {  	_ = 	snop  }
0x1cd: {  	v36 =	vor.u32 v6, v22;
	_ =	sdelay $0x1  }
0x1ce: {  	[tilespmem:s0+$0x280] =	vst v33  }
0x1cf: {  	v45 =	vor.u32 v7, v20;
	v33 =	vld.idx.msk [tilespmem:v35+s5+$0x0], $0xffff;
	[tilespmem:s15+$0x280] =	vst v34  }
0x1d0: {  	v44 =	vor.u32 v7, v21;
	[tilespmem:s3+$0x280] =	vst v26;
	v24 =	vld.idx.msk [tilespmem:v24+s5+$0x0], $0xffff  }
0x1d1: {  	v43 =	vor.u32 v7, v23;
	v36 =	vld.idx.msk [tilespmem:v36+s5+$0x0], $0xffff  }
0x1d2: {  	v37 =	vor.u32 v7, v22  }
0x1d3: {  	[tilespmem:s2+$0x300] =	vst v32  }
0x1d4: {  	v26 =	vld.idx.msk [tilespmem:v45+s5+$0x0], $0xffff;
	[tilespmem:s0+$0x300] =	vst v33  }
0x1d5: {  	v48 =	vor.u32 v8, v20;
	v33 =	vld.idx.msk [tilespmem:v44+s5+$0x0], $0xffff;
	[tilespmem:s15+$0x300] =	vst v24  }
0x1d6: {  	v47 =	vor.u32 v8, v21;
	v24 =	vld.idx.msk [tilespmem:v43+s5+$0x0], $0xffff;
	[tilespmem:s3+$0x300] =	vst v36  }
0x1d7: {  	v46 =	vor.u32 v8, v23;
	v36 =	vld.idx.msk [tilespmem:v37+s5+$0x0], $0xffff  }
0x1d8: {  	v49 =	vor.u32 v8, v22  }
0x1d9: {  	[tilespmem:s2+$0x380] =	vst v26  }
0x1da: {  	v52 =	vld.idx.msk [tilespmem:v48+s5+$0x0], $0xffff;
	[tilespmem:s0+$0x380] =	vst v33  }
0x1db: {  	v54 =	vor.u32 v9, v20;
	v51 =	vld.idx.msk [tilespmem:v47+s5+$0x0], $0xffff;
	[tilespmem:s15+$0x380] =	vst v24  }
0x1dc: {  	v53 =	vor.u32 v9, v21;
	v24 =	vld.idx.msk [tilespmem:v46+s5+$0x0], $0xffff;
	[tilespmem:s3+$0x380] =	vst v36  }
0x1dd: {  	v50 =	vor.u32 v9, v23;
	v36 =	vld.idx.msk [tilespmem:v49+s5+$0x0], $0xffff  }
0x1de: {  	[tilespmem:s28+$0x4180] =	vst v25;
	v55 =	vor.u32 v9, v22  }
0x1df: {  	[tilespmem:s2+$0x4000] =	vst v52  }
0x1e0: {  	v33 =	vld.idx.msk [tilespmem:v54+s5+$0x0], $0xffff;
	[tilespmem:s0+$0x4000] =	vst v51  }
0x1e1: {  	v58 =	vor.u32 v10, v20;
	v32 =	vld.idx.msk [tilespmem:v53+s5+$0x0], $0xffff;
	[tilespmem:s15+$0x4000] =	vst v24  }
0x1e2: {  	v57 =	vor.u32 v10, v21;
	v24 =	vld.idx.msk [tilespmem:v50+s5+$0x0], $0xffff;
	[tilespmem:s3+$0x4000] =	vst v36  }
0x1e3: {  	v56 =	vor.u32 v10, v23;
	[tilespmem:s29+$0x4200] =	vst v29;
	v25 =	vld.idx.msk [tilespmem:v55+s5+$0x0], $0xffff  }
0x1e4: {  	v30 =	vld.idx.msk [tilespmem:v30+s5+$0x0], $0xffff;
	v59 =	vor.u32 v10, v22;
	[tilespmem:s31+$0x4300] =	vst v31  }
0x1e5: {  	v28 =	vld.idx.msk [tilespmem:v28+s5+$0x0], $0xffff;
	[tilespmem:s2+$0x4080] =	vst v33  }
0x1e6: {  	v38 =	vor.u32 v13, v18;
	v29 =	vld.idx.msk [tilespmem:v58+s5+$0x0], $0xffff;
	[tilespmem:s0+$0x4080] =	vst v32  }
0x1e7: {  	v36 =	vor.u32 v11, v20;
	v62 =	vld.idx.msk [tilespmem:v57+s5+$0x0], $0xffff;
	[tilespmem:s15+$0x4080] =	vst v24  }
0x1e8: {  	v63 =	vor.u32 v11, v21;
	v26 =	vld.idx.msk [tilespmem:v56+s5+$0x0], $0xffff;
	[tilespmem:s3+$0x4080] =	vst v25  }
0x1e9: {  	v61 =	vor.u32 v11, v23;
	[tilespmem:s30+$0x4200] =	vst v30;
	v31 =	vld.idx.msk [tilespmem:v59+s5+$0x0], $0xffff  }
0x1ea: {  	v27 =	vld.idx.msk [tilespmem:v27+s5+$0x0], $0xffff;
	[tilespmem:s28+$0x4200] =	vst v28;
	v37 =	vor.u32 v11, v22  }
0x1eb: {  	v60 =	vor.u32 v13, v16;
	v44 =	vld.idx.msk [tilespmem:v38+s5+$0x0], $0xffff;
	[tilespmem:s2+$0x4100] =	vst v29  }
0x1ec: {  	v19 =	vor.u32 v15, v19;
	v30 =	vld.idx.msk [tilespmem:v36+s5+$0x0], $0xffff;
	[tilespmem:s0+$0x4100] =	vst v62  }
0x1ed: {  	v43 =	vor.u32 v12, v20;
	v25 =	vld.idx.msk [tilespmem:v63+s5+$0x0], $0xffff;
	[tilespmem:s15+$0x4100] =	vst v26  }
0x1ee: {  	v41 =	vor.u32 v12, v21;
	v32 =	vld.idx.msk [tilespmem:v61+s5+$0x0], $0xffff;
	[tilespmem:s3+$0x4100] =	vst v31  }
0x1ef: {  	v40 =	vor.u32 v12, v23;
	[tilespmem:s29+$0x4280] =	vst v27;
	v42 =	vld.idx.msk [tilespmem:v37+s5+$0x0], $0xffff  }
0x1f0: {  	v45 =	vor.u32 v12, v22;
	[tilespmem:s30+$0x4280] =	vst v44;
	v24 =	vld.idx.msk [tilespmem:v60+s5+$0x0], $0xffff  }
0x1f1: {  	v19 =	vld.idx.msk [tilespmem:v19+s5+$0x0], $0xffff;
	v51 =	vor.u32 v14, v18;
	[tilespmem:s2+$0x4180] =	vst v30  }
0x1f2: {  	v39 =	vor.u32 v14, v17;
	v28 =	vld.idx.msk [tilespmem:v43+s5+$0x0], $0xffff;
	[tilespmem:s0+$0x4180] =	vst v25  }
0x1f3: {  	v49 =	vor.u32 v13, v20;
	v31 =	vld.idx.msk [tilespmem:v41+s5+$0x0], $0xffff;
	[tilespmem:s15+$0x4180] =	vst v32  }
0x1f4: {  	v48 =	vor.u32 v13, v21;
	v29 =	vld.idx.msk [tilespmem:v40+s5+$0x0], $0xffff;
	[tilespmem:s3+$0x4180] =	vst v42  }
0x1f5: {  	v47 =	vor.u32 v13, v23;
	[tilespmem:s28+$0x4280] =	vst v24;
	v24 =	vld.idx.msk [tilespmem:v45+s5+$0x0], $0xffff  }
0x1f6: {  	[tilespmem:s31+$0x4380] =	vst v19;
	v50 =	vor.u32 v13, v22;
	v56 =	vld.idx.msk [tilespmem:v51+s5+$0x0], $0xffff  }
0x1f7: {  	v46 =	vor.u32 v14, v16;
	v26 =	vld.idx.msk [tilespmem:v39+s5+$0x0], $0xffff;
	[tilespmem:s2+$0x4200] =	vst v28  }
0x1f8: {  	v17 =	vor.u32 v15, v17;
	v28 =	vld.idx.msk [tilespmem:v49+s5+$0x0], $0xffff;
	[tilespmem:s0+$0x4200] =	vst v31  }
0x1f9: {  	v55 =	vor.u32 v14, v20;
	v27 =	vld.idx.msk [tilespmem:v48+s5+$0x0], $0xffff;
	[tilespmem:s15+$0x4200] =	vst v29  }
0x1fa: {  	v53 =	vor.u32 v14, v21;
	v25 =	vld.idx.msk [tilespmem:v47+s5+$0x0], $0xffff;
	[tilespmem:s3+$0x4200] =	vst v24  }
0x1fb: {  	v52 =	vor.u32 v14, v23;
	[tilespmem:s30+$0x4300] =	vst v56;
	v54 =	vld.idx.msk [tilespmem:v50+s5+$0x0], $0xffff  }
0x1fc: {  	v57 =	vor.u32 v14, v22;
	[tilespmem:s29+$0x4300] =	vst v26;
	v32 =	vld.idx.msk [tilespmem:v46+s5+$0x0], $0xffff  }
0x1fd: {  	v16 =	vor.u32 v15, v16;
	v17 =	vld.idx.msk [tilespmem:v17+s5+$0x0], $0xffff;
	[tilespmem:s2+$0x4280] =	vst v28  }
0x1fe: {  	v58 =	vor.u32 v15, v18;
	v26 =	vld.idx.msk [tilespmem:v55+s5+$0x0], $0xffff;
	[tilespmem:s0+$0x4280] =	vst v27  }
0x1ff: {  	v61 =	vor.u32 v15, v20;
	v24 =	vld.idx.msk [tilespmem:v53+s5+$0x0], $0xffff;
	[tilespmem:s15+$0x4280] =	vst v25  }
0x200: {  	v60 =	vor.u32 v15, v21;
	v25 =	vld.idx.msk [tilespmem:v52+s5+$0x0], $0xffff;
	[tilespmem:s3+$0x4280] =	vst v54  }
0x201: {  	v59 =	vor.u32 v15, v23;
	[tilespmem:s28+$0x4300] =	vst v32;
	v62 =	vld.idx.msk [tilespmem:v57+s5+$0x0], $0xffff  }
0x202: {  	[tilespmem:s29+$0x4380] =	vst v17;
	v17 =	vor.u32 v15, v22;
	v16 =	vld.idx.msk [tilespmem:v16+s5+$0x0], $0xffff  }
0x203: {  	v18 =	vld.idx.msk [tilespmem:v58+s5+$0x0], $0xffff;
	[tilespmem:s2+$0x4300] =	vst v26  }
0x204: {  	v20 =	vld.idx.msk [tilespmem:v61+s5+$0x0], $0xffff;
	[tilespmem:s0+$0x4300] =	vst v24  }
0x205: {  	v19 =	vld.idx.msk [tilespmem:v60+s5+$0x0], $0xffff;
	[tilespmem:s15+$0x4300] =	vst v25  }
0x206: {  	v63 =	vld.idx.msk [tilespmem:v59+s5+$0x0], $0xffff;
	[tilespmem:s3+$0x4300] =	vst v62  }
0x207: {  	[tilespmem:s28+$0x4380] =	vst v16;
	v16 =	vld.idx.msk [tilespmem:v17+s5+$0x0], $0xffff  }
0x208: {  	[tilespmem:s30+$0x4380] =	vst v18  }
0x209: {  	s7 =	sadd.s32 @!p0 s26, s11;
	[tilespmem:s2+$0x4380] =	vst v20  }
0x20a: {  	[tilespmem:s0+$0x4380] =	vst v19;
	s0 =	sshll.u32 @!p0 s7, $0x8  }
0x20b: {  	s25 =	sadd.s32 $0x1, s25;
	s30 =	sshll.u32 s8, $0xC;
	s0 =	sand.u32 @!p0 $0xFFFFF00, s0;
	[tilespmem:s15+$0x4380] =	vst v63  }
0x20c: {  	s2 =	simm.s32 @!p0 $0x0;
	s0 =	sadd.s32 @!p0 s1, s0;
	[tilespmem:s3+$0x4380] =	vst v16;
	s3 =	simm.s32 @!p0 $0x3A00  }
0x20d: {  	[tilespmem:s3], [sflag:$0x2] =	stream.linear.gather @!p0 [hbm4b:s0+s2], $0x800, $0x38;
	[tilespmem:$0x14200] =	vst v63  }
0x20e: {  	s0 =	sand.u32 $0x7FFF8000, s30;
	p0 =	sne.s32 s25, $0x19  }
.Ltmp2:
0x20f: {  	s0 =	sor.u32 s12, s0;
	(pc) =	sbr.rel @p0 .LBB2_2-.Ltmp2, $4  }
0x210: {  	s31 =	sadd.s32 s4, s0  }
0x211: {  	[hbm4b:s31+s5] =	stream.linear.scatter [tilespmem:s20], [sflag:$0x4], $0x4000, $0x38;
	[tilespmem:$0x14200] =	vst v63  }
0x212: {  	s0 =	sadd.s32 s0, s10  }
0x213: {  	[hbm4b:s0+s5] =	stream.linear.scatter [tilespmem:s21], [sflag:$0x4], $0x4000, $0x38;
	[tilespmem:$0x14200] =	vst v63  }
0x214: {  	s0 =	simm.s32 $0x3  }
0x215: {  	_ =	swait.ge [sflag:s0], $0x4000  }
0x216: {  	[sflag:s0] =	ssyncset.done $0x0  }
0x217: {  	[sflag:s0] =	ssyncadd.s32 $0xFFFFC000  }
0x218: {  	_ =	swait.ge [sflag:s0], $0x4000  }
0x219: {  	[sflag:s0] =	ssyncset.done $0x0  }
0x21a: {  	s2 =	simm.s32 $0x4;
	[sflag:s0] =	ssyncadd.s32 $0xFFFFC000  }
0x21b: {  	_ =	swait.ge [sflag:s2], $0x4000  }
0x21c: {  	[sflag:s2] =	ssyncset.done $0x0  }
0x21d: {  	[sflag:s2] =	ssyncadd.s32 $0xFFFFC000  }
0x21e: {  	_ =	swait.ge [sflag:s2], $0x4000  }
0x21f: {  	s24 =	sadd.s32 $0x1, s24;
	s31 =	rddreg [dreg:$0x6]  }
0x220: {  	p0 =	sne.s32 s24, s31  }
.Ltmp3:
0x221: {  	_ = 	snop;
	(pc) =	sbr.rel @p0 .LBB2_1-.Ltmp3, $3  }
0x222: {  	_ =	sdelay $0x1  }
0x223: {  	[sflag:s2] =	ssyncset.done $0x0  }
0x224: {  	[sflag:s2] =	ssyncadd.s32 $0xFFFFC000  }
0x225: {  	_ =	sfence.sel $0x180000  }
0x226: {  	[bflag:$0x0] =	sbarrier.arrive $0xFFFF  }
0x227: {  	_ =	strace $0x90000047  }
0x228: {  	s0 =	stileid.u32;
	[bflag:$0x2] =	sbarrier.arrive $0xFFFF  }
0x229: {  	p0 =	sne.s32 s0, $0x0;
	s0 =	rddreg [dreg:$0x3]  }
0x22a: {  	s0 =	sadd.s32 @!p0 $0x100000, s0  }
0x22b: {  	[sflag:s0] =	ssyncadd.tile.s32 @!p0 $0x1;
	_ =	shalt  }
.Lfunc_end2:
_tile_overlayer_lowered:
.L_overlay_start_2:
0x22c: {  	(tag) =	ssettag $0x2  }
0x22d: {  	s0 =	rddreg [dreg:$0x0];
	s2 =	stileid.u32  }
0x22e: {  	s1 =	rddreg [dreg:$0x1];
	p0 =	sne.s32 s2, $0x0  }
0x22f: {  	s3 =	rddreg [dreg:$0x2];
	[bflag:$0x3] =	sbarrier.arrive $0xFFFF;
	s2 =	simm.s32 @!p0 $0x1C05  }
0x230: {  	[timem:s3], [sflag:s2] =	dma.local @!p0 [hbm:s0], s1  }
0x231: {  	s0 =	simm.s32 @!p0 $0x5  }
0x232: {  	_ =	swait.ge @!p0 [sflag:s0], s1  }
0x233: {  	s1 =	ssub.s32 @!p0 $0x0, s1;
	[sflag:s0] =	ssyncset.done @!p0 $0x0  }
0x234: {  	[sflag:s0] =	ssyncadd.s32 @!p0 s1  }
0x235: {  	[bflag:$0x3] =	sbarrier.arrive $0xFFFF  }
0x236: {  	_ =	shalt  }

</sc_bundles>
